<compile_context>
chip_gen: v7x
topology: tpu7x:2x2x1
jax: 0.10.2.dev20260603
libtpu: 0.0.44.dev20260713+nightly
codegen_flags: <defaults>
</compile_context>

<pallas_src>
import functools

import jax
import jax.numpy as jnp
from jax import lax
from jax.experimental import pallas as pl
from jax.experimental.pallas import tpu as pltpu
from jax.experimental.pallas import tpu_sc as plsc

N = 10000
E = 80000
G = 64
D_IN = 1280
H = 512
N_PAD = 10112
E_PAD = 81920
NSTEP = 40
EPW_D = E_PAD // 32
ROWS_PER_SUB = N_PAD // 16
RB = 512
NRB = 20
BN_EPS = 1e-5


def _sc_mesh():
    return plsc.VectorSubcoreMesh(core_axis_name="c", subcore_axis_name="s")


def _sc_deg_body(dst_hbm, out_hbm, dst_v, hist_v):
    c = lax.axis_index("c")
    s = lax.axis_index("s")
    w = s * 2 + c
    pltpu.sync_copy(dst_hbm.at[w], dst_v)

    def zero(i, _):
        hist_v[pl.ds(i * 16, 16)] = jnp.zeros((16,), jnp.float32)
        return 0

    lax.fori_loop(0, N_PAD // 16, zero, 0)
    ones = jnp.ones((16,), jnp.float32)

    def add(i, _):
        r = i // 8
        k = i % 8
        idx = dst_v[r, pl.ds(k * 16, 16)]
        plsc.addupdate_scatter(hist_v, [idx], ones)
        return 0

    lax.fori_loop(0, EPW_D // 16, add, 0)
    pltpu.sync_copy(hist_v, out_hbm.at[w, 0])


def _sc_deg(dst32):
    f = pl.kernel(
        _sc_deg_body,
        out_type=jax.ShapeDtypeStruct((32, 1, N_PAD), jnp.float32),
        mesh=_sc_mesh(),
        compiler_params=pltpu.CompilerParams(needs_layout_passes=False),
        scratch_types=[
            pltpu.VMEM((EPW_D // 128, 128), jnp.int32),
            pltpu.VMEM((N_PAD,), jnp.float32),
        ],
    )
    return f(dst32)


def _sc_agg_body(h2d_hbm, src_hbm, dst_hbm, out_hbm,
                 dst_v, gix_v, rows_a, acc, sema):
    c = lax.axis_index("c")
    s = lax.axis_index("s")
    pltpu.sync_copy(src_hbm.at[s], gix_v)
    pltpu.sync_copy(dst_hbm.at[s], dst_v)
    row0 = pl.multiple_of(s * ROWS_PER_SUB, 8)

    delta = c * N_PAD

    def gx(i, _):
        r = i // 8
        k = i % 8
        gix_v[r, pl.ds(k * 16, 16)] = gix_v[r, pl.ds(k * 16, 16)] + delta
        return 0

    lax.fori_loop(0, NSTEP * 8, gx, 0)

    def zb(i, _):
        r = i // 8
        q = (i % 8) // 4
        k = i % 4
        rows_a[r, q, pl.ds(k * 32, 32)] = jnp.zeros((32,), jnp.bfloat16)
        return 0

    lax.fori_loop(0, 128 * 8, zb, 0)
    for k in range(4):
        pltpu.sync_copy(rows_a, acc.at[pl.ds(row0 + k * 128, 128)])
    pltpu.sync_copy(rows_a.at[pl.ds(0, ROWS_PER_SUB - 512)],
                    acc.at[pl.ds(row0 + 512, ROWS_PER_SUB - 512)])
    plsc.subcore_barrier()

    def step(j, _):
        pltpu.async_copy(h2d_hbm.at[gix_v.at[j]], rows_a, sema).wait()
        pltpu.sync_copy(rows_a, acc.at[dst_v.at[j]], add=True)
        return 0

    lax.fori_loop(0, NSTEP, step, 0)
    plsc.subcore_barrier()
    pltpu.sync_copy(acc.at[pl.ds(row0, ROWS_PER_SUB)],
                    out_hbm.at[c, pl.ds(row0, ROWS_PER_SUB)])


def _sc_agg(h2d, src16, dst16):
    f = pl.kernel(
        _sc_agg_body,
        out_type=jax.ShapeDtypeStruct((2, N_PAD, 2, 128), jnp.bfloat16),
        mesh=_sc_mesh(),
        compiler_params=pltpu.CompilerParams(needs_layout_passes=False,
                                             use_tc_tiling_on_sc=False),
        scratch_types=[
            pltpu.VMEM((NSTEP, 128), jnp.int32),
            pltpu.VMEM((NSTEP, 128), jnp.int32),
            pltpu.VMEM((128, 2, 128), jnp.bfloat16),
            pltpu.VMEM_SHARED((N_PAD, 2, 128), jnp.bfloat16),
            pltpu.SemaphoreType.DMA,
        ],
    )
    return f(h2d, src16, dst16)



def _dinv_body(hist_ref, out_ref):
    deg = jnp.sum(hist_ref[...], axis=0, keepdims=True) + 1.0
    out_ref[...] = lax.rsqrt(deg)


def _dinv(hist):
    return pl.pallas_call(
        _dinv_body,
        out_shape=jax.ShapeDtypeStruct((1, N_PAD), jnp.float32),
    )(hist)


def _mm1a_body(x_ref, w_ref, dinv_ref, h1p_ref, h1b_ref):
    acc = jnp.dot(x_ref[...], w_ref[...], preferred_element_type=jnp.float32)
    h1p = acc * dinv_ref[...]
    h1p_ref[...] = h1p
    hb = h1p.astype(jnp.bfloat16)
    for p in range(2):
        for q in range(2):
            h1b_ref[p, :, q, :] = hb[:, p * 256 + q * 128:p * 256 + (q + 1) * 128]


def _mm1a(x_res, w1, dinv_col):
    return pl.pallas_call(
        _mm1a_body,
        grid=(NRB,),
        in_specs=[
            pl.BlockSpec((RB, D_IN), lambda i: (i, 0)),
            pl.BlockSpec((D_IN, H), lambda i: (0, 0)),
            pl.BlockSpec((RB, 1), lambda i: (i, 0)),
        ],
        out_specs=[
            pl.BlockSpec((RB, H), lambda i: (i, 0)),
            pl.BlockSpec((2, RB, 2, 128), lambda i: (0, i, 0, 0)),
        ],
        out_shape=[
            jax.ShapeDtypeStruct((N, H), jnp.float32),
            jax.ShapeDtypeStruct((2, N_PAD, 2, 128), jnp.bfloat16),
        ],
    )(x_res, w1, dinv_col)


def _mm1b_body(x_ref, w_ref, pre2_ref):
    pre2_ref[...] = jnp.dot(x_ref[...], w_ref[...],
                            preferred_element_type=jnp.float32)


def _mm1b(x_res, w2b):
    return pl.pallas_call(
        _mm1b_body,
        grid=(NRB,),
        in_specs=[
            pl.BlockSpec((RB, D_IN), lambda i: (i, 0)),
            pl.BlockSpec((D_IN, H), lambda i: (0, 0)),
        ],
        out_specs=pl.BlockSpec((RB, H), lambda i: (i, 0)),
        out_shape=jax.ShapeDtypeStruct((N, H), jnp.float32),
    )(x_res, w2b)


def _agg_cat(agg_ref):
    parts = [agg_ref[p, :, q, :].astype(jnp.float32)
             for p in range(2) for q in range(2)]
    return jnp.concatenate(parts, axis=1)


def _mm2_body(agg_ref, h1p_ref, dinv_ref, w2a_ref, pre2_ref,
              bc1_ref, g1_ref, be1_ref, h2p_ref, h2b_ref, xx_ref):
    agg = _agg_cat(agg_ref)
    out1 = (agg + h1p_ref[...]) * dinv_ref[...] + bc1_ref[...]
    s1 = g1_ref[...] * lax.rsqrt(jnp.float32(1.0 + BN_EPS))
    xx = jnp.maximum(out1, 0.0) * s1 + be1_ref[...]
    xx_ref[...] = xx
    h2 = jnp.dot(xx, w2a_ref[...], preferred_element_type=jnp.float32)
    h2p = (h2 + pre2_ref[...]) * dinv_ref[...]
    h2p_ref[...] = h2p
    hb = h2p.astype(jnp.bfloat16)
    for p in range(2):
        for q in range(2):
            h2b_ref[p, :, q, :] = hb[:, p * 256 + q * 128:p * 256 + (q + 1) * 128]


def _mm2(agg1, h1p, dinv_col, w2a, pre2, bc1, g1, be1):
    return pl.pallas_call(
        _mm2_body,
        grid=(NRB,),
        in_specs=[
            pl.BlockSpec((2, RB, 2, 128), lambda i: (0, i, 0, 0)),
            pl.BlockSpec((RB, H), lambda i: (i, 0)),
            pl.BlockSpec((RB, 1), lambda i: (i, 0)),
            pl.BlockSpec((H, H), lambda i: (0, 0)),
            pl.BlockSpec((RB, H), lambda i: (i, 0)),
            pl.BlockSpec((1, H), lambda i: (0, 0)),
            pl.BlockSpec((1, H), lambda i: (0, 0)),
            pl.BlockSpec((1, H), lambda i: (0, 0)),
        ],
        out_specs=[
            pl.BlockSpec((RB, H), lambda i: (i, 0)),
            pl.BlockSpec((2, RB, 2, 128), lambda i: (0, i, 0, 0)),
            pl.BlockSpec((RB, H), lambda i: (i, 0)),
        ],
        out_shape=[
            jax.ShapeDtypeStruct((N, H), jnp.float32),
            jax.ShapeDtypeStruct((2, N_PAD, 2, 128), jnp.bfloat16),
            jax.ShapeDtypeStruct((N, H), jnp.float32),
        ],
    )(agg1, h1p, dinv_col, w2a, pre2, bc1, g1, be1)


def _mvalid(batch_ref, i):
    cvalid = (lax.broadcasted_iota(jnp.int32, (1, RB), 1) + i * RB) < N
    m = (batch_ref[...] == lax.broadcasted_iota(jnp.int32, (G, RB), 0)) & cvalid
    return m.astype(jnp.float32)


def _seg_res_body(xres_ref, batch_ref, sres_ref):
    i = pl.program_id(0)
    rvalid = (lax.broadcasted_iota(jnp.int32, (RB, 1), 0) + i * RB) < N
    xres = jnp.where(rvalid, xres_ref[...], 0.0)
    m = _mvalid(batch_ref, i)

    @pl.when(i == 0)
    def _():
        sres_ref[...] = jnp.zeros_like(sres_ref)

    sres_ref[...] += jnp.dot(m, xres, preferred_element_type=jnp.float32)


def _seg_res(x_res, batch_row):
    return pl.pallas_call(
        _seg_res_body,
        grid=(NRB,),
        in_specs=[
            pl.BlockSpec((RB, D_IN), lambda i: (i, 0)),
            pl.BlockSpec((1, RB), lambda i: (0, i)),
        ],
        out_specs=pl.BlockSpec((G, D_IN), lambda i: (0, 0)),
        out_shape=jax.ShapeDtypeStruct((G, D_IN), jnp.float32),
    )(x_res, batch_row)


def _seg_body(agg_ref, h2p_ref, xx_ref, dinv_ref, batch_ref,
              bc2_ref, g2_ref, be2_ref, sxx_ref, sxxx_ref):
    i = pl.program_id(0)
    agg = _agg_cat(agg_ref)
    out2 = (agg + h2p_ref[...]) * dinv_ref[...] + bc2_ref[...]
    s2 = g2_ref[...] * lax.rsqrt(jnp.float32(1.0 + BN_EPS))
    xxx = jnp.maximum(out2, 0.0) * s2 + be2_ref[...]

    rvalid = (lax.broadcasted_iota(jnp.int32, (RB, 1), 0) + i * RB) < N
    xxx = jnp.where(rvalid, xxx, 0.0)
    xx = jnp.where(rvalid, xx_ref[...], 0.0)
    m = _mvalid(batch_ref, i)

    @pl.when(i == 0)
    def _():
        sxx_ref[...] = jnp.zeros_like(sxx_ref)
        sxxx_ref[...] = jnp.zeros_like(sxxx_ref)

    sxx_ref[...] += jnp.dot(m, xx, preferred_element_type=jnp.float32)
    sxxx_ref[...] += jnp.dot(m, xxx, preferred_element_type=jnp.float32)


def _seg(agg2, h2p, xx, dinv_col, batch_row, bc2, g2, be2):
    return pl.pallas_call(
        _seg_body,
        grid=(NRB,),
        in_specs=[
            pl.BlockSpec((2, RB, 2, 128), lambda i: (0, i, 0, 0)),
            pl.BlockSpec((RB, H), lambda i: (i, 0)),
            pl.BlockSpec((RB, H), lambda i: (i, 0)),
            pl.BlockSpec((RB, 1), lambda i: (i, 0)),
            pl.BlockSpec((1, RB), lambda i: (0, i)),
            pl.BlockSpec((1, H), lambda i: (0, 0)),
            pl.BlockSpec((1, H), lambda i: (0, 0)),
            pl.BlockSpec((1, H), lambda i: (0, 0)),
        ],
        out_specs=[
            pl.BlockSpec((G, H), lambda i: (0, 0)),
            pl.BlockSpec((G, H), lambda i: (0, 0)),
        ],
        out_shape=[
            jax.ShapeDtypeStruct((G, H), jnp.float32),
            jax.ShapeDtypeStruct((G, H), jnp.float32),
        ],
    )(agg2, h2p, xx, dinv_col, batch_row, bc2, g2, be2)


def _fc1y_body(xseq_ref, w_ref, b_ref, y_ref):
    y = jnp.dot(xseq_ref[...], w_ref[...], preferred_element_type=jnp.float32)
    y_ref[...] = y + b_ref[...]


def _fc1y(x_seq, fc1w, fc1b):
    d_cat = 3584
    return pl.pallas_call(
        _fc1y_body,
        grid=(7,),
        in_specs=[
            pl.BlockSpec((G, D_IN), lambda j: (0, 0)),
            pl.BlockSpec((D_IN, 512), lambda j: (0, j)),
            pl.BlockSpec((1, 512), lambda j: (0, j)),
        ],
        out_specs=pl.BlockSpec((G, 512), lambda j: (0, j)),
        out_shape=jax.ShapeDtypeStruct((G, d_cat), jnp.float32),
    )(x_seq, fc1w, fc1b)


def _fc2_body(xc_ref, y4_ref, g4_ref, be4_ref, w_ref, b_ref, g5_ref, be5_ref,
              x1_ref):
    s4 = g4_ref[...] * lax.rsqrt(jnp.float32(1.0 + BN_EPS))
    t = (xc_ref[...] + y4_ref[...]) * s4 + be4_ref[...]
    y = jnp.dot(t, w_ref[...], preferred_element_type=jnp.float32)
    s5 = g5_ref[...] * lax.rsqrt(jnp.float32(1.0 + BN_EPS))
    x1_ref[...] = (y + b_ref[...]) * s5 + be5_ref[...]


def _fc2(xc_sum, y4, g4, be4, fc2w, fc2b, g5, be5):
    d_cat = 3584
    return pl.pallas_call(
        _fc2_body,
        grid=(6,),
        in_specs=[
            pl.BlockSpec((G, d_cat), lambda j: (0, 0)),
            pl.BlockSpec((G, d_cat), lambda j: (0, 0)),
            pl.BlockSpec((1, d_cat), lambda j: (0, 0)),
            pl.BlockSpec((1, d_cat), lambda j: (0, 0)),
            pl.BlockSpec((d_cat, 512), lambda j: (0, j)),
            pl.BlockSpec((1, 512), lambda j: (0, j)),
            pl.BlockSpec((1, 512), lambda j: (0, j)),
            pl.BlockSpec((1, 512), lambda j: (0, j)),
        ],
        out_specs=pl.BlockSpec((G, 512), lambda j: (0, j)),
        out_shape=jax.ShapeDtypeStruct((G, 3000), jnp.float32),
    )(xc_sum, y4, g4, be4, fc2w, fc2b, g5, be5)


def _fc3_body(x1_ref, w_ref, b_ref, g6_ref, be6_ref, out_ref):
    wf = w_ref[0] + w_ref[1]
    y = jnp.dot(x1_ref[...], wf, preferred_element_type=jnp.float32)
    s6 = g6_ref[...] * lax.rsqrt(jnp.float32(1.0 + BN_EPS))
    out_ref[...] = jax.nn.sigmoid((y + b_ref[...]) * s6 + be6_ref[...])


def _fc3(x1, fc3w2, fc3b, g6, be6):
    return pl.pallas_call(
        _fc3_body,
        out_shape=jax.ShapeDtypeStruct((G, 500), jnp.float32),
    )(x1, fc3w2, fc3b, g6, be6)



def kernel(embedding_features_per_residue, embedding_features_per_sequence,
           sequence_features, edge_index, edge_attr, batch,
           W1, bc1, g1, be1, W2, bc2, g2, be2,
           fc1W, fc1b, g4, be4, fc2W, fc2b, g5, be5,
           fc3W, fc3b, g6, be6):
    x_res = embedding_features_per_residue
    x_seq = embedding_features_per_sequence

    src = edge_index[0]
    dst = edge_index[1]
    srcp = jnp.concatenate([src, jnp.zeros((E_PAD - E,), src.dtype)])
    dstp = jnp.concatenate([dst, jnp.full((E_PAD - E,), N, dst.dtype)])
    src16 = srcp.reshape(16, NSTEP, 128)
    dst16 = dstp.reshape(16, NSTEP, 128)
    dst32 = dstp.reshape(32, EPW_D // 128, 128)

    hist = _sc_deg(dst32).reshape(32, N_PAD)
    dinv_col = _dinv(hist).reshape(N_PAD, 1)

    h1p, h1b = _mm1a(x_res, W1, dinv_col)
    agg1 = _sc_agg(h1b.reshape(2 * N_PAD, 2, 128), src16, dst16)
    pre2 = _mm1b(x_res, W2[H:, :])
    y4 = _fc1y(x_seq, fc1W, fc1b.reshape(1, -1))
    batch_row = batch.reshape(1, N)
    s_res = _seg_res(x_res, batch_row)

    r1 = lambda v: v.reshape(1, -1)
    h2p, h2b, xx = _mm2(agg1, h1p, dinv_col, W2[:H, :], pre2,
                        r1(bc1), r1(g1), r1(be1))
    agg2 = _sc_agg(h2b.reshape(2 * N_PAD, 2, 128), src16, dst16)

    s_xx, s_xxx = _seg(agg2, h2p, xx, dinv_col,
                       batch_row, r1(bc2), r1(g2), r1(be2))
    xc_sum = jnp.concatenate([s_xx, s_res, s_xxx, s_res], axis=1)

    x1 = _fc2(xc_sum, y4, r1(g4), r1(be4), fc2W, r1(fc2b), r1(g5), r1(be5))
    out = _fc3(x1, fc3W.reshape(2, 3000, 500), r1(fc3b), r1(g6), r1(be6))
    return out

# --- scband reference (transcript-rebuilt; emitter-appended) ---
"""Pipeline reference for scband-gcn-69002944577796 (READ-ONLY COPY).

The authoritative reference and input builder live on the scoring server;
editing this copy changes nothing except your own understanding.
"""

import jax, jax.numpy as jnp
import numpy as np

N_NODES = 10000
N_EDGES = 80000
N_GRAPHS = 64
D_IN = 1280
H1 = 512
H2 = 512
NUM_CLASSES = 500
D_CAT = H1 + H2 + 2 * D_IN  # 3584
EPS = 1e-5


def _bn(x, gamma, beta):
    # eval-mode BatchNorm1d with running_mean=0, running_var=1
    return x / jnp.sqrt(1.0 + EPS) * gamma + beta


def _gcn_conv(x, edge_index, W, b):
    # PyG GCNConv: add self-loops, symmetric normalization, scatter-add aggregation
    n = x.shape[0]
    src = edge_index[0]
    dst = edge_index[1]
    loop = jnp.arange(n, dtype=src.dtype)
    src = jnp.concatenate([src, loop])
    dst = jnp.concatenate([dst, loop])
    deg = jnp.zeros((n,), jnp.float32).at[dst].add(jnp.ones((src.shape[0],), jnp.float32))
    dinv = jnp.where(deg > 0, jax.lax.rsqrt(deg), 0.0)
    norm = dinv[src] * dinv[dst]
    h = x @ W
    out = jnp.zeros((n, W.shape[1]), x.dtype).at[dst].add(h[src] * norm[:, None])
    return out + b


def setup_inputs(seed: int = 0) -> dict:
    key = jax.random.key(seed)
    ks = jax.random.split(key, 32)
    inp = {}
    inp["embedding_features_per_residue"] = jax.random.normal(ks[0], (N_NODES, D_IN), jnp.float32)
    inp["embedding_features_per_sequence"] = jax.random.normal(ks[1], (N_GRAPHS, D_IN), jnp.float32)
    inp["sequence_features"] = jax.random.normal(ks[2], (N_GRAPHS, D_IN), jnp.float32)
    inp["edge_index"] = jax.random.randint(ks[3], (2, N_EDGES), 0, N_NODES, jnp.int32)
    inp["edge_attr"] = jax.random.uniform(ks[4], (N_EDGES, 4), jnp.float32)
    inp["batch"] = jnp.sort(jax.random.randint(ks[5], (N_NODES,), 0, N_GRAPHS, jnp.int32))
    # conv1: D_IN -> H1 ; conv2: D_IN + H1 -> H2
    inp["W1"] = jax.random.normal(ks[6], (D_IN, H1), jnp.float32) * 0.02
    inp["bc1"] = jnp.zeros((H1,), jnp.float32)
    inp["g1"] = 1.0 + 0.1 * jax.random.normal(ks[7], (H1,), jnp.float32)
    inp["be1"] = 0.1 * jax.random.normal(ks[8], (H1,), jnp.float32)
    inp["W2"] = jax.random.normal(ks[9], (D_IN + H1, H2), jnp.float32) * 0.02
    inp["bc2"] = jnp.zeros((H2,), jnp.float32)
    inp["g2"] = 1.0 + 0.1 * jax.random.normal(ks[10], (H2,), jnp.float32)
    inp["be2"] = 0.1 * jax.random.normal(ks[11], (H2,), jnp.float32)
    inp["fc1W"] = jax.random.normal(ks[12], (D_IN, D_CAT), jnp.float32) * 0.02
    inp["fc1b"] = jnp.zeros((D_CAT,), jnp.float32)
    inp["g4"] = 1.0 + 0.1 * jax.random.normal(ks[13], (D_CAT,), jnp.float32)
    inp["be4"] = 0.1 * jax.random.normal(ks[14], (D_CAT,), jnp.float32)
    inp["fc2W"] = jax.random.normal(ks[15], (D_CAT, 3000), jnp.float32) * 0.02
    inp["fc2b"] = jnp.zeros((3000,), jnp.float32)
    inp["g5"] = 1.0 + 0.1 * jax.random.normal(ks[16], (3000,), jnp.float32)
    inp["be5"] = 0.1 * jax.random.normal(ks[17], (3000,), jnp.float32)
    inp["fc3W"] = jax.random.normal(ks[18], (6000, NUM_CLASSES), jnp.float32) * 0.02
    inp["fc3b"] = jnp.zeros((NUM_CLASSES,), jnp.float32)
    inp["g6"] = 1.0 + 0.1 * jax.random.normal(ks[19], (NUM_CLASSES,), jnp.float32)
    inp["be6"] = 0.1 * jax.random.normal(ks[20], (NUM_CLASSES,), jnp.float32)
    return inp


def reference(embedding_features_per_residue, embedding_features_per_sequence, sequence_features, edge_index, edge_attr, batch, W1, bc1, g1, be1, W2, bc2, g2, be2, fc1W, fc1b, g4, be4, fc2W, fc2b, g5, be5, fc3W, fc3b, g6, be6):
    x_res = embedding_features_per_residue
    x_seq = embedding_features_per_sequence
    _edge_weight = edge_attr[:, 0:1]  # extracted but unused, as in the torch forward
    _x_raw = sequence_features  # unused, as in the torch forward

    def forward_once():
        xx = _bn(jax.nn.relu(_gcn_conv(x_res, edge_index, W1, bc1)), g1, be1)
        # dropout p=0.5 is identity in eval mode
        xx = jnp.concatenate([xx, x_res], axis=1)
        xxx = _bn(jax.nn.relu(_gcn_conv(xx, edge_index, W2, bc2)), g2, be2)
        xxx = jnp.concatenate([xxx, x_res], axis=1)
        xc = jnp.concatenate([xx, xxx], axis=1)
        x = jax.ops.segment_sum(xc, batch, num_segments=N_GRAPHS)
        y = x_seq @ fc1W + fc1b
        x = x + y
        x = _bn(x, g4, be4)
        x = x @ fc2W + fc2b
        x = _bn(x, g5, be5)
        return x

    x_1 = forward_once()
    x_2 = forward_once()
    x = jnp.concatenate([x_1, x_2], axis=1)
    x = x @ fc3W + fc3b
    x = _bn(x, g6, be6)
    return jax.nn.sigmoid(x)

if __name__ == "__main__":
    import jax
    _d = setup_inputs()
    print(jax.jit(kernel)(*tuple(_d.values())))

</pallas_src>

<mosaic_0001>
#map = affine_map<(d0, d1) -> (0, 0, 0)>
#map1 = affine_map<(d0, d1) -> (0, 0, 0, 0)>
module attributes {stable_mosaic.version = 14 : i64} {
  func.func @_sc_agg_body(%arg0: i32, %arg1: i32, %arg2: memref<20224x2x128xbf16, #tpu.memory_space<hbm>>, %arg3: memref<16x40x128xi32, #tpu.memory_space<hbm>>, %arg4: memref<16x40x128xi32, #tpu.memory_space<hbm>>, %arg5: memref<2x10112x2x128xbf16, #tpu.memory_space<hbm>>, %arg6: memref<40x128xi32, #tpu.memory_space<vmem>>, %arg7: memref<40x128xi32, #tpu.memory_space<vmem>>, %arg8: memref<128x2x128xbf16, #tpu.memory_space<vmem>>, %arg9: memref<10112x2x128xbf16, #tpu.memory_space<vmem_shared>>, %arg10: memref<!tpu.dma_semaphore, #tpu.memory_space<semaphore_mem>>) attributes {dimension_semantics = [#tpu.dimension_semantics<core_parallel>, #tpu.dimension_semantics<subcore_parallel>], iteration_bounds = array<i64: 2, 16>, scalar_prefetch = 0 : i64, scratch_operands = 5 : i64, tpu.core_type = #tpu.core_type<sc_vector_subcore>, window_params = [{transform_indices = #map}, {transform_indices = #map}, {transform_indices = #map}, {transform_indices = #map1}]} {
    "tpu.region"() ({
      %run_scoped3A = tpu.sem_alloc : memref<!tpu.dma_semaphore, #tpu.memory_space<semaphore_mem>>
      %dma_start3A = arith.constant 0 : i32
      %dma_start3A_33 = arith.constant 0 : i32
      %dma_start3A_34 = tpu.memref_slice %arg3[%arg1, %dma_start3A, %dma_start3A_33] : memref<16x40x128xi32, #tpu.memory_space<hbm>> -> memref<1x40x128xi32, #tpu.memory_space<hbm>>
      %dma_start3A_35 = tpu.memref_squeeze %dma_start3A_34 : memref<1x40x128xi32, #tpu.memory_space<hbm>> -> memref<40x128xi32, #tpu.memory_space<hbm>>
      %dma_start3A_36 = arith.constant 0 : i32
      %dma_start3A_37 = arith.constant 0 : i32
      %dma_start3A_38 = tpu.memref_slice %arg3[%arg1, %dma_start3A_36, %dma_start3A_37] : memref<16x40x128xi32, #tpu.memory_space<hbm>> -> memref<1x40x128xi32, #tpu.memory_space<hbm>>
      %dma_start3A_39 = tpu.memref_squeeze %dma_start3A_38 : memref<1x40x128xi32, #tpu.memory_space<hbm>> -> memref<40x128xi32, #tpu.memory_space<hbm>>
      tpu.enqueue_dma source(%dma_start3A_39 : memref<40x128xi32, #tpu.memory_space<hbm>>) target(%arg7 : memref<40x128xi32, #tpu.memory_space<vmem>>) target_semaphore(%run_scoped3A : memref<!tpu.dma_semaphore, #tpu.memory_space<semaphore_mem>>)
      %dma_wait3A = arith.constant 0 : i32
      %dma_wait3A_40 = arith.constant 0 : i32
      %dma_wait3A_41 = tpu.memref_slice %arg3[%arg1, %dma_wait3A, %dma_wait3A_40] : memref<16x40x128xi32, #tpu.memory_space<hbm>> -> memref<1x40x128xi32, #tpu.memory_space<hbm>>
      %dma_wait3A_42 = tpu.memref_squeeze %dma_wait3A_41 : memref<1x40x128xi32, #tpu.memory_space<hbm>> -> memref<40x128xi32, #tpu.memory_space<hbm>>
      %dma_wait3A_43 = arith.constant 0 : i32
      %dma_wait3A_44 = arith.constant 0 : i32
      %dma_wait3A_45 = tpu.memref_slice %arg3[%arg1, %dma_wait3A_43, %dma_wait3A_44] : memref<16x40x128xi32, #tpu.memory_space<hbm>> -> memref<1x40x128xi32, #tpu.memory_space<hbm>>
      %dma_wait3A_46 = tpu.memref_squeeze %dma_wait3A_45 : memref<1x40x128xi32, #tpu.memory_space<hbm>> -> memref<40x128xi32, #tpu.memory_space<hbm>>
      tpu.wait_dma2 semaphore(%run_scoped3A : memref<!tpu.dma_semaphore, #tpu.memory_space<semaphore_mem>>) src(%dma_wait3A_46 : memref<40x128xi32, #tpu.memory_space<hbm>>) dst(%arg7 : memref<40x128xi32, #tpu.memory_space<vmem>>)
      tpu.yield
    }) : () -> ()
    "tpu.region"() ({
      %run_scoped3A = tpu.sem_alloc : memref<!tpu.dma_semaphore, #tpu.memory_space<semaphore_mem>>
      %dma_start3A = arith.constant 0 : i32
      %dma_start3A_33 = arith.constant 0 : i32
      %dma_start3A_34 = tpu.memref_slice %arg4[%arg1, %dma_start3A, %dma_start3A_33] : memref<16x40x128xi32, #tpu.memory_space<hbm>> -> memref<1x40x128xi32, #tpu.memory_space<hbm>>
      %dma_start3A_35 = tpu.memref_squeeze %dma_start3A_34 : memref<1x40x128xi32, #tpu.memory_space<hbm>> -> memref<40x128xi32, #tpu.memory_space<hbm>>
      %dma_start3A_36 = arith.constant 0 : i32
      %dma_start3A_37 = arith.constant 0 : i32
      %dma_start3A_38 = tpu.memref_slice %arg4[%arg1, %dma_start3A_36, %dma_start3A_37] : memref<16x40x128xi32, #tpu.memory_space<hbm>> -> memref<1x40x128xi32, #tpu.memory_space<hbm>>
      %dma_start3A_39 = tpu.memref_squeeze %dma_start3A_38 : memref<1x40x128xi32, #tpu.memory_space<hbm>> -> memref<40x128xi32, #tpu.memory_space<hbm>>
      tpu.enqueue_dma source(%dma_start3A_39 : memref<40x128xi32, #tpu.memory_space<hbm>>) target(%arg6 : memref<40x128xi32, #tpu.memory_space<vmem>>) target_semaphore(%run_scoped3A : memref<!tpu.dma_semaphore, #tpu.memory_space<semaphore_mem>>)
      %dma_wait3A = arith.constant 0 : i32
      %dma_wait3A_40 = arith.constant 0 : i32
      %dma_wait3A_41 = tpu.memref_slice %arg4[%arg1, %dma_wait3A, %dma_wait3A_40] : memref<16x40x128xi32, #tpu.memory_space<hbm>> -> memref<1x40x128xi32, #tpu.memory_space<hbm>>
      %dma_wait3A_42 = tpu.memref_squeeze %dma_wait3A_41 : memref<1x40x128xi32, #tpu.memory_space<hbm>> -> memref<40x128xi32, #tpu.memory_space<hbm>>
      %dma_wait3A_43 = arith.constant 0 : i32
      %dma_wait3A_44 = arith.constant 0 : i32
      %dma_wait3A_45 = tpu.memref_slice %arg4[%arg1, %dma_wait3A_43, %dma_wait3A_44] : memref<16x40x128xi32, #tpu.memory_space<hbm>> -> memref<1x40x128xi32, #tpu.memory_space<hbm>>
      %dma_wait3A_46 = tpu.memref_squeeze %dma_wait3A_45 : memref<1x40x128xi32, #tpu.memory_space<hbm>> -> memref<40x128xi32, #tpu.memory_space<hbm>>
      tpu.wait_dma2 semaphore(%run_scoped3A : memref<!tpu.dma_semaphore, #tpu.memory_space<semaphore_mem>>) src(%dma_wait3A_46 : memref<40x128xi32, #tpu.memory_space<hbm>>) dst(%arg6 : memref<40x128xi32, #tpu.memory_space<vmem>>)
      tpu.yield
    }) : () -> ()
    %mul3A = arith.constant 632 : i32
    %mul3A_0 = arith.muli %arg1, %mul3A : i32
    %multiple_of3A = tpu.assume_multiple %mul3A_0, 8 : i32
    %mul3A_1 = arith.constant 10112 : i32
    %mul3A_2 = arith.muli %arg0, %mul3A_1 : i32
    %scan3A = arith.constant 0 : i32
    %scan3A_3 = arith.constant 0 : i32
    %scan3A_4 = arith.constant 320 : i32
    %scan3A_5 = arith.addi %scan3A_3, %scan3A_4 : i32
    %scan3A_6 = arith.constant 1 : i32
    %scan3A_7 = scf.for %scan3A_33 = %scan3A_3 to %scan3A_5 step %scan3A_6 iter_args(%scan3A_34 = %scan3A) -> (i32)  : i32 {
      %jit3A = arith.constant 8 : i32
      %div3A = arith.divsi %scan3A_33, %jit3A : i32
      %sign3A = arith.constant 0 : i32
      %sign3A_35 = arith.cmpi sgt, %scan3A_33, %sign3A : i32
      %sign3A_36 = arith.extui %sign3A_35 : i1 to i32
      %sign3A_37 = arith.constant 0 : i32
      %sign3A_38 = arith.cmpi slt, %scan3A_33, %sign3A_37 : i32
      %sign3A_39 = arith.extui %sign3A_38 : i1 to i32
      %sign3A_40 = arith.subi %sign3A_36, %sign3A_39 : i32
      %sign3A_41 = arith.constant 0 : i32
      %sign3A_42 = arith.cmpi sgt, %jit3A, %sign3A_41 : i32
      %sign3A_43 = arith.extui %sign3A_42 : i1 to i32
      %sign3A_44 = arith.constant 0 : i32
      %sign3A_45 = arith.cmpi slt, %jit3A, %sign3A_44 : i32
      %sign3A_46 = arith.extui %sign3A_45 : i1 to i32
      %sign3A_47 = arith.subi %sign3A_43, %sign3A_46 : i32
      %ne3A = arith.cmpi ne, %sign3A_40, %sign3A_47 : i32
      %rem3A = arith.remsi %scan3A_33, %jit3A : i32
      %ne3A_48 = arith.constant 0 : i32
      %ne3A_49 = arith.cmpi ne, %rem3A, %ne3A_48 : i32
      %and3A = arith.andi %ne3A, %ne3A_49 : i1
      %sub3A = arith.constant 1 : i32
      %sub3A_50 = arith.subi %div3A, %sub3A : i32
      %select_n3A = arith.select %and3A, %sub3A_50, %div3A : i32
      %jit3A_51 = arith.constant 8 : i32
      %eq3A = arith.constant 0 : i32
      %eq3A_52 = arith.cmpi eq, %jit3A_51, %eq3A : i32
      %jit3A_53 = arith.constant 1 : i32
      %select_n3A_54 = arith.select %eq3A_52, %jit3A_53, %jit3A_51 : i32
      %rem3A_55 = arith.remsi %scan3A_33, %select_n3A_54 : i32
      %ne3A_56 = arith.constant 0 : i32
      %ne3A_57 = arith.cmpi ne, %rem3A_55, %ne3A_56 : i32
      %lt3A = arith.constant 0 : i32
      %lt3A_58 = arith.cmpi slt, %rem3A_55, %lt3A : i32
      %lt3A_59 = arith.constant 0 : i32
      %lt3A_60 = arith.cmpi slt, %select_n3A_54, %lt3A_59 : i32
      %ne3A_61 = arith.xori %lt3A_58, %lt3A_60 : i1
      %and3A_62 = arith.andi %ne3A_61, %ne3A_57 : i1
      %add3A_63 = arith.addi %rem3A_55, %select_n3A_54 : i32
      %select_n3A_64 = arith.select %and3A_62, %add3A_63, %rem3A_55 : i32
      %mul3A_65 = arith.constant 16 : i32
      %mul3A_66 = arith.muli %select_n3A_64, %mul3A_65 : i32
      %get3A = arith.index_cast %select_n3A : i32 to index
      %get3A_67 = arith.index_cast %mul3A_66 : i32 to index
      %get3A_68 = tpu.vector_load %arg7[%get3A, %get3A_67] {strides = array<i32>} : memref<40x128xi32, #tpu.memory_space<vmem>>, vector<16xi32>,
      %add3A_69 = vector.broadcast %mul3A_2 : i32 to vector<16xi32>
      %add3A_70 = arith.addi %get3A_68, %add3A_69 : vector<16xi32>
      %mul3A_71 = arith.constant 16 : i32
      %mul3A_72 = arith.muli %select_n3A_64, %mul3A_71 : i32
      %swap3A = arith.index_cast %select_n3A : i32 to index
      %swap3A_73 = arith.index_cast %mul3A_72 : i32 to index
      %swap3A_74 = tpu.vector_load %arg7[%swap3A, %swap3A_73] {strides = array<i32>} : memref<40x128xi32, #tpu.memory_space<vmem>>, vector<16xi32>,
      tpu.vector_store %arg7[%swap3A, %swap3A_73], %add3A_70 {strides = array<i32>} : memref<40x128xi32, #tpu.memory_space<vmem>>, vector<16xi32>,
      %scan3A_75 = arith.constant 0 : i32
      scf.yield %scan3A_75 : i32
    }
    %scan3A_8 = arith.constant 320 : i32
    %scan3A_9 = arith.constant 0 : i32
    %scan3A_10 = arith.constant 0 : i32
    %scan3A_11 = arith.constant 1024 : i32
    %scan3A_12 = arith.addi %scan3A_10, %scan3A_11 : i32
    %scan3A_13 = arith.constant 1 : i32
    %scan3A_14 = scf.for %scan3A_33 = %scan3A_10 to %scan3A_12 step %scan3A_13 iter_args(%scan3A_34 = %scan3A_9) -> (i32)  : i32 {
      %jit3A = arith.constant 8 : i32
      %div3A = arith.divsi %scan3A_33, %jit3A : i32
      %sign3A = arith.constant 0 : i32
      %sign3A_35 = arith.cmpi sgt, %scan3A_33, %sign3A : i32
      %sign3A_36 = arith.extui %sign3A_35 : i1 to i32
      %sign3A_37 = arith.constant 0 : i32
      %sign3A_38 = arith.cmpi slt, %scan3A_33, %sign3A_37 : i32
      %sign3A_39 = arith.extui %sign3A_38 : i1 to i32
      %sign3A_40 = arith.subi %sign3A_36, %sign3A_39 : i32
      %sign3A_41 = arith.constant 0 : i32
      %sign3A_42 = arith.cmpi sgt, %jit3A, %sign3A_41 : i32
      %sign3A_43 = arith.extui %sign3A_42 : i1 to i32
      %sign3A_44 = arith.constant 0 : i32
      %sign3A_45 = arith.cmpi slt, %jit3A, %sign3A_44 : i32
      %sign3A_46 = arith.extui %sign3A_45 : i1 to i32
      %sign3A_47 = arith.subi %sign3A_43, %sign3A_46 : i32
      %ne3A = arith.cmpi ne, %sign3A_40, %sign3A_47 : i32
      %rem3A = arith.remsi %scan3A_33, %jit3A : i32
      %ne3A_48 = arith.constant 0 : i32
      %ne3A_49 = arith.cmpi ne, %rem3A, %ne3A_48 : i32
      %and3A = arith.andi %ne3A, %ne3A_49 : i1
      %sub3A = arith.constant 1 : i32
      %sub3A_50 = arith.subi %div3A, %sub3A : i32
      %select_n3A = arith.select %and3A, %sub3A_50, %div3A : i32
      %jit3A_51 = arith.constant 8 : i32
      %eq3A = arith.constant 0 : i32
      %eq3A_52 = arith.cmpi eq, %jit3A_51, %eq3A : i32
      %jit3A_53 = arith.constant 1 : i32
      %select_n3A_54 = arith.select %eq3A_52, %jit3A_53, %jit3A_51 : i32
      %rem3A_55 = arith.remsi %scan3A_33, %select_n3A_54 : i32
      %ne3A_56 = arith.constant 0 : i32
      %ne3A_57 = arith.cmpi ne, %rem3A_55, %ne3A_56 : i32
      %lt3A = arith.constant 0 : i32
      %lt3A_58 = arith.cmpi slt, %rem3A_55, %lt3A : i32
      %lt3A_59 = arith.constant 0 : i32
      %lt3A_60 = arith.cmpi slt, %select_n3A_54, %lt3A_59 : i32
      %ne3A_61 = arith.xori %lt3A_58, %lt3A_60 : i1
      %and3A_62 = arith.andi %ne3A_61, %ne3A_57 : i1
      %add3A_63 = arith.addi %rem3A_55, %select_n3A_54 : i32
      %select_n3A_64 = arith.select %and3A_62, %add3A_63, %rem3A_55 : i32
      %jit3A_65 = arith.constant 4 : i32
      %div3A_66 = arith.divsi %select_n3A_64, %jit3A_65 : i32
      %sign3A_67 = arith.constant 0 : i32
      %sign3A_68 = arith.cmpi sgt, %select_n3A_64, %sign3A_67 : i32
      %sign3A_69 = arith.extui %sign3A_68 : i1 to i32
      %sign3A_70 = arith.constant 0 : i32
      %sign3A_71 = arith.cmpi slt, %select_n3A_64, %sign3A_70 : i32
      %sign3A_72 = arith.extui %sign3A_71 : i1 to i32
      %sign3A_73 = arith.subi %sign3A_69, %sign3A_72 : i32
      %sign3A_74 = arith.constant 0 : i32
      %sign3A_75 = arith.cmpi sgt, %jit3A_65, %sign3A_74 : i32
      %sign3A_76 = arith.extui %sign3A_75 : i1 to i32
      %sign3A_77 = arith.constant 0 : i32
      %sign3A_78 = arith.cmpi slt, %jit3A_65, %sign3A_77 : i32
      %sign3A_79 = arith.extui %sign3A_78 : i1 to i32
      %sign3A_80 = arith.subi %sign3A_76, %sign3A_79 : i32
      %ne3A_81 = arith.cmpi ne, %sign3A_73, %sign3A_80 : i32
      %rem3A_82 = arith.remsi %select_n3A_64, %jit3A_65 : i32
      %ne3A_83 = arith.constant 0 : i32
      %ne3A_84 = arith.cmpi ne, %rem3A_82, %ne3A_83 : i32
      %and3A_85 = arith.andi %ne3A_81, %ne3A_84 : i1
      %sub3A_86 = arith.constant 1 : i32
      %sub3A_87 = arith.subi %div3A_66, %sub3A_86 : i32
      %select_n3A_88 = arith.select %and3A_85, %sub3A_87, %div3A_66 : i32
      %jit3A_89 = arith.constant 4 : i32
      %eq3A_90 = arith.constant 0 : i32
      %eq3A_91 = arith.cmpi eq, %jit3A_89, %eq3A_90 : i32
      %jit3A_92 = arith.constant 1 : i32
      %select_n3A_93 = arith.select %eq3A_91, %jit3A_92, %jit3A_89 : i32
      %rem3A_94 = arith.remsi %scan3A_33, %select_n3A_93 : i32
      %ne3A_95 = arith.constant 0 : i32
      %ne3A_96 = arith.cmpi ne, %rem3A_94, %ne3A_95 : i32
      %lt3A_97 = arith.constant 0 : i32
      %lt3A_98 = arith.cmpi slt, %rem3A_94, %lt3A_97 : i32
      %lt3A_99 = arith.constant 0 : i32
      %lt3A_100 = arith.cmpi slt, %select_n3A_93, %lt3A_99 : i32
      %ne3A_101 = arith.xori %lt3A_98, %lt3A_100 : i1
      %and3A_102 = arith.andi %ne3A_101, %ne3A_96 : i1
      %add3A_103 = arith.addi %rem3A_94, %select_n3A_93 : i32
      %select_n3A_104 = arith.select %and3A_102, %add3A_103, %rem3A_94 : i32
      %broadcast_in_dim3A = arith.constant 0.000000e+00 : bf16
      %broadcast_in_dim3A_105 = vector.broadcast %broadcast_in_dim3A : bf16 to vector<32xbf16>
      %mul3A_106 = arith.constant 32 : i32
      %mul3A_107 = arith.muli %select_n3A_104, %mul3A_106 : i32
      %swap3A = arith.index_cast %select_n3A : i32 to index
      %swap3A_108 = arith.index_cast %select_n3A_88 : i32 to index
      %swap3A_109 = arith.index_cast %mul3A_107 : i32 to index
      %swap3A_110 = tpu.vector_load %arg8[%swap3A, %swap3A_108, %swap3A_109] {strides = array<i32>} : memref<128x2x128xbf16, #tpu.memory_space<vmem>>, vector<32xbf16>,
      tpu.vector_store %arg8[%swap3A, %swap3A_108, %swap3A_109], %broadcast_in_dim3A_105 {strides = array<i32>} : memref<128x2x128xbf16, #tpu.memory_space<vmem>>, vector<32xbf16>,
      %scan3A_111 = arith.constant 0 : i32
      scf.yield %scan3A_111 : i32
    }
    %scan3A_15 = arith.constant 1024 : i32
    %add3A = arith.constant 0 : i32
    %add3A_16 = arith.addi %multiple_of3A, %add3A : i32
    "tpu.region"() ({
      %run_scoped3A = tpu.sem_alloc : memref<!tpu.dma_semaphore, #tpu.memory_space<semaphore_mem>>
      %dma_start3A = arith.constant 0 : i32
      %dma_start3A_33 = arith.constant 0 : i32
      %dma_start3A_34 = tpu.memref_slice %arg9[%add3A_16, %dma_start3A, %dma_start3A_33] : memref<10112x2x128xbf16, #tpu.memory_space<vmem_shared>> -> memref<128x2x128xbf16, #tpu.memory_space<vmem_shared>>
      %dma_start3A_35 = arith.constant 0 : i32
      %dma_start3A_36 = arith.constant 0 : i32
      %dma_start3A_37 = tpu.memref_slice %arg9[%add3A_16, %dma_start3A_35, %dma_start3A_36] : memref<10112x2x128xbf16, #tpu.memory_space<vmem_shared>> -> memref<128x2x128xbf16, #tpu.memory_space<vmem_shared>>
      tpu.enqueue_dma source(%arg8 : memref<128x2x128xbf16, #tpu.memory_space<vmem>>) target(%dma_start3A_37 : memref<128x2x128xbf16, #tpu.memory_space<vmem_shared>>) target_semaphore(%run_scoped3A : memref<!tpu.dma_semaphore, #tpu.memory_space<semaphore_mem>>)
      %dma_wait3A = arith.constant 0 : i32
      %dma_wait3A_38 = arith.constant 0 : i32
      %dma_wait3A_39 = tpu.memref_slice %arg9[%add3A_16, %dma_wait3A, %dma_wait3A_38] : memref<10112x2x128xbf16, #tpu.memory_space<vmem_shared>> -> memref<128x2x128xbf16, #tpu.memory_space<vmem_shared>>
      %dma_wait3A_40 = arith.constant 0 : i32
      %dma_wait3A_41 = arith.constant 0 : i32
      %dma_wait3A_42 = tpu.memref_slice %arg9[%add3A_16, %dma_wait3A_40, %dma_wait3A_41] : memref<10112x2x128xbf16, #tpu.memory_space<vmem_shared>> -> memref<128x2x128xbf16, #tpu.memory_space<vmem_shared>>
      tpu.wait_dma2 semaphore(%run_scoped3A : memref<!tpu.dma_semaphore, #tpu.memory_space<semaphore_mem>>) src(%arg8 : memref<128x2x128xbf16, #tpu.memory_space<vmem>>) dst(%dma_wait3A_42 : memref<128x2x128xbf16, #tpu.memory_space<vmem_shared>>)
      tpu.yield
    }) : () -> ()
    %add3A_17 = arith.constant 128 : i32
    %add3A_18 = arith.addi %multiple_of3A, %add3A_17 : i32
    "tpu.region"() ({
      %run_scoped3A = tpu.sem_alloc : memref<!tpu.dma_semaphore, #tpu.memory_space<semaphore_mem>>
      %dma_start3A = arith.constant 0 : i32
      %dma_start3A_33 = arith.constant 0 : i32
      %dma_start3A_34 = tpu.memref_slice %arg9[%add3A_18, %dma_start3A, %dma_start3A_33] : memref<10112x2x128xbf16, #tpu.memory_space<vmem_shared>> -> memref<128x2x128xbf16, #tpu.memory_space<vmem_shared>>
      %dma_start3A_35 = arith.constant 0 : i32
      %dma_start3A_36 = arith.constant 0 : i32
      %dma_start3A_37 = tpu.memref_slice %arg9[%add3A_18, %dma_start3A_35, %dma_start3A_36] : memref<10112x2x128xbf16, #tpu.memory_space<vmem_shared>> -> memref<128x2x128xbf16, #tpu.memory_space<vmem_shared>>
      tpu.enqueue_dma source(%arg8 : memref<128x2x128xbf16, #tpu.memory_space<vmem>>) target(%dma_start3A_37 : memref<128x2x128xbf16, #tpu.memory_space<vmem_shared>>) target_semaphore(%run_scoped3A : memref<!tpu.dma_semaphore, #tpu.memory_space<semaphore_mem>>)
      %dma_wait3A = arith.constant 0 : i32
      %dma_wait3A_38 = arith.constant 0 : i32
      %dma_wait3A_39 = tpu.memref_slice %arg9[%add3A_18, %dma_wait3A, %dma_wait3A_38] : memref<10112x2x128xbf16, #tpu.memory_space<vmem_shared>> -> memref<128x2x128xbf16, #tpu.memory_space<vmem_shared>>
      %dma_wait3A_40 = arith.constant 0 : i32
      %dma_wait3A_41 = arith.constant 0 : i32
      %dma_wait3A_42 = tpu.memref_slice %arg9[%add3A_18, %dma_wait3A_40, %dma_wait3A_41] : memref<10112x2x128xbf16, #tpu.memory_space<vmem_shared>> -> memref<128x2x128xbf16, #tpu.memory_space<vmem_shared>>
      tpu.wait_dma2 semaphore(%run_scoped3A : memref<!tpu.dma_semaphore, #tpu.memory_space<semaphore_mem>>) src(%arg8 : memref<128x2x128xbf16, #tpu.memory_space<vmem>>) dst(%dma_wait3A_42 : memref<128x2x128xbf16, #tpu.memory_space<vmem_shared>>)
      tpu.yield
    }) : () -> ()
    %add3A_19 = arith.constant 256 : i32
    %add3A_20 = arith.addi %multiple_of3A, %add3A_19 : i32
    "tpu.region"() ({
      %run_scoped3A = tpu.sem_alloc : memref<!tpu.dma_semaphore, #tpu.memory_space<semaphore_mem>>
      %dma_start3A = arith.constant 0 : i32
      %dma_start3A_33 = arith.constant 0 : i32
      %dma_start3A_34 = tpu.memref_slice %arg9[%add3A_20, %dma_start3A, %dma_start3A_33] : memref<10112x2x128xbf16, #tpu.memory_space<vmem_shared>> -> memref<128x2x128xbf16, #tpu.memory_space<vmem_shared>>
      %dma_start3A_35 = arith.constant 0 : i32
      %dma_start3A_36 = arith.constant 0 : i32
      %dma_start3A_37 = tpu.memref_slice %arg9[%add3A_20, %dma_start3A_35, %dma_start3A_36] : memref<10112x2x128xbf16, #tpu.memory_space<vmem_shared>> -> memref<128x2x128xbf16, #tpu.memory_space<vmem_shared>>
      tpu.enqueue_dma source(%arg8 : memref<128x2x128xbf16, #tpu.memory_space<vmem>>) target(%dma_start3A_37 : memref<128x2x128xbf16, #tpu.memory_space<vmem_shared>>) target_semaphore(%run_scoped3A : memref<!tpu.dma_semaphore, #tpu.memory_space<semaphore_mem>>)
      %dma_wait3A = arith.constant 0 : i32
      %dma_wait3A_38 = arith.constant 0 : i32
      %dma_wait3A_39 = tpu.memref_slice %arg9[%add3A_20, %dma_wait3A, %dma_wait3A_38] : memref<10112x2x128xbf16, #tpu.memory_space<vmem_shared>> -> memref<128x2x128xbf16, #tpu.memory_space<vmem_shared>>
      %dma_wait3A_40 = arith.constant 0 : i32
      %dma_wait3A_41 = arith.constant 0 : i32
      %dma_wait3A_42 = tpu.memref_slice %arg9[%add3A_20, %dma_wait3A_40, %dma_wait3A_41] : memref<10112x2x128xbf16, #tpu.memory_space<vmem_shared>> -> memref<128x2x128xbf16, #tpu.memory_space<vmem_shared>>
      tpu.wait_dma2 semaphore(%run_scoped3A : memref<!tpu.dma_semaphore, #tpu.memory_space<semaphore_mem>>) src(%arg8 : memref<128x2x128xbf16, #tpu.memory_space<vmem>>) dst(%dma_wait3A_42 : memref<128x2x128xbf16, #tpu.memory_space<vmem_shared>>)
      tpu.yield
    }) : () -> ()
    %add3A_21 = arith.constant 384 : i32
    %add3A_22 = arith.addi %multiple_of3A, %add3A_21 : i32
    "tpu.region"() ({
      %run_scoped3A = tpu.sem_alloc : memref<!tpu.dma_semaphore, #tpu.memory_space<semaphore_mem>>
      %dma_start3A = arith.constant 0 : i32
      %dma_start3A_33 = arith.constant 0 : i32
      %dma_start3A_34 = tpu.memref_slice %arg9[%add3A_22, %dma_start3A, %dma_start3A_33] : memref<10112x2x128xbf16, #tpu.memory_space<vmem_shared>> -> memref<128x2x128xbf16, #tpu.memory_space<vmem_shared>>
      %dma_start3A_35 = arith.constant 0 : i32
      %dma_start3A_36 = arith.constant 0 : i32
      %dma_start3A_37 = tpu.memref_slice %arg9[%add3A_22, %dma_start3A_35, %dma_start3A_36] : memref<10112x2x128xbf16, #tpu.memory_space<vmem_shared>> -> memref<128x2x128xbf16, #tpu.memory_space<vmem_shared>>
      tpu.enqueue_dma source(%arg8 : memref<128x2x128xbf16, #tpu.memory_space<vmem>>) target(%dma_start3A_37 : memref<128x2x128xbf16, #tpu.memory_space<vmem_shared>>) target_semaphore(%run_scoped3A : memref<!tpu.dma_semaphore, #tpu.memory_space<semaphore_mem>>)
      %dma_wait3A = arith.constant 0 : i32
      %dma_wait3A_38 = arith.constant 0 : i32
      %dma_wait3A_39 = tpu.memref_slice %arg9[%add3A_22, %dma_wait3A, %dma_wait3A_38] : memref<10112x2x128xbf16, #tpu.memory_space<vmem_shared>> -> memref<128x2x128xbf16, #tpu.memory_space<vmem_shared>>
      %dma_wait3A_40 = arith.constant 0 : i32
      %dma_wait3A_41 = arith.constant 0 : i32
      %dma_wait3A_42 = tpu.memref_slice %arg9[%add3A_22, %dma_wait3A_40, %dma_wait3A_41] : memref<10112x2x128xbf16, #tpu.memory_space<vmem_shared>> -> memref<128x2x128xbf16, #tpu.memory_space<vmem_shared>>
      tpu.wait_dma2 semaphore(%run_scoped3A : memref<!tpu.dma_semaphore, #tpu.memory_space<semaphore_mem>>) src(%arg8 : memref<128x2x128xbf16, #tpu.memory_space<vmem>>) dst(%dma_wait3A_42 : memref<128x2x128xbf16, #tpu.memory_space<vmem_shared>>)
      tpu.yield
    }) : () -> ()
    %add3A_23 = arith.constant 512 : i32
    %add3A_24 = arith.addi %multiple_of3A, %add3A_23 : i32
    "tpu.region"() ({
      %run_scoped3A = tpu.sem_alloc : memref<!tpu.dma_semaphore, #tpu.memory_space<semaphore_mem>>
      %dma_start3A = arith.constant 0 : i32
      %dma_start3A_33 = arith.constant 0 : i32
      %dma_start3A_34 = arith.constant 0 : i32
      %dma_start3A_35 = tpu.memref_slice %arg8[%dma_start3A, %dma_start3A_33, %dma_start3A_34] : memref<128x2x128xbf16, #tpu.memory_space<vmem>> -> memref<120x2x128xbf16, #tpu.memory_space<vmem>>
      %dma_start3A_36 = arith.constant 0 : i32
      %dma_start3A_37 = arith.constant 0 : i32
      %dma_start3A_38 = tpu.memref_slice %arg9[%add3A_24, %dma_start3A_36, %dma_start3A_37] : memref<10112x2x128xbf16, #tpu.memory_space<vmem_shared>> -> memref<120x2x128xbf16, #tpu.memory_space<vmem_shared>>
      %dma_start3A_39 = arith.constant 0 : i32
      %dma_start3A_40 = arith.constant 0 : i32
      %dma_start3A_41 = tpu.memref_slice %arg9[%add3A_24, %dma_start3A_39, %dma_start3A_40] : memref<10112x2x128xbf16, #tpu.memory_space<vmem_shared>> -> memref<120x2x128xbf16, #tpu.memory_space<vmem_shared>>
      %dma_start3A_42 = arith.constant 0 : i32
      %dma_start3A_43 = arith.constant 0 : i32
      %dma_start3A_44 = arith.constant 0 : i32
      %dma_start3A_45 = tpu.memref_slice %arg8[%dma_start3A_42, %dma_start3A_43, %dma_start3A_44] : memref<128x2x128xbf16, #tpu.memory_space<vmem>> -> memref<120x2x128xbf16, #tpu.memory_space<vmem>>
      tpu.enqueue_dma source(%dma_start3A_45 : memref<120x2x128xbf16, #tpu.memory_space<vmem>>) target(%dma_start3A_41 : memref<120x2x128xbf16, #tpu.memory_space<vmem_shared>>) target_semaphore(%run_scoped3A : memref<!tpu.dma_semaphore, #tpu.memory_space<semaphore_mem>>)
      %dma_wait3A = arith.constant 0 : i32
      %dma_wait3A_46 = arith.constant 0 : i32
      %dma_wait3A_47 = arith.constant 0 : i32
      %dma_wait3A_48 = tpu.memref_slice %arg8[%dma_wait3A, %dma_wait3A_46, %dma_wait3A_47] : memref<128x2x128xbf16, #tpu.memory_space<vmem>> -> memref<120x2x128xbf16, #tpu.memory_space<vmem>>
      %dma_wait3A_49 = arith.constant 0 : i32
      %dma_wait3A_50 = arith.constant 0 : i32
      %dma_wait3A_51 = tpu.memref_slice %arg9[%add3A_24, %dma_wait3A_49, %dma_wait3A_50] : memref<10112x2x128xbf16, #tpu.memory_space<vmem_shared>> -> memref<120x2x128xbf16, #tpu.memory_space<vmem_shared>>
      %dma_wait3A_52 = arith.constant 0 : i32
      %dma_wait3A_53 = arith.constant 0 : i32
      %dma_wait3A_54 = tpu.memref_slice %arg9[%add3A_24, %dma_wait3A_52, %dma_wait3A_53] : memref<10112x2x128xbf16, #tpu.memory_space<vmem_shared>> -> memref<120x2x128xbf16, #tpu.memory_space<vmem_shared>>
      %dma_wait3A_55 = arith.constant 0 : i32
      %dma_wait3A_56 = arith.constant 0 : i32
      %dma_wait3A_57 = arith.constant 0 : i32
      %dma_wait3A_58 = tpu.memref_slice %arg8[%dma_wait3A_55, %dma_wait3A_56, %dma_wait3A_57] : memref<128x2x128xbf16, #tpu.memory_space<vmem>> -> memref<120x2x128xbf16, #tpu.memory_space<vmem>>
      tpu.wait_dma2 semaphore(%run_scoped3A : memref<!tpu.dma_semaphore, #tpu.memory_space<semaphore_mem>>) src(%dma_wait3A_58 : memref<120x2x128xbf16, #tpu.memory_space<vmem>>) dst(%dma_wait3A_54 : memref<120x2x128xbf16, #tpu.memory_space<vmem_shared>>)
      tpu.yield
    }) : () -> ()
    %barrier3A = arith.constant 0 : index
    tpu.barrier barrier_id(%barrier3A)
    %scan3A_25 = arith.constant 0 : i32
    %scan3A_26 = arith.constant 0 : i32
    %scan3A_27 = arith.constant 40 : i32
    %scan3A_28 = arith.addi %scan3A_26, %scan3A_27 : i32
    %scan3A_29 = arith.constant 1 : i32
    %scan3A_30 = scf.for %scan3A_33 = %scan3A_26 to %scan3A_28 step %scan3A_29 iter_args(%scan3A_34 = %scan3A_25) -> (i32)  : i32 {
      %dma_start3A = arith.constant 0 : i32
      %dma_start3A_35 = tpu.memref_slice %arg7[%scan3A_33, %dma_start3A] : memref<40x128xi32, #tpu.memory_space<vmem>> -> memref<1x128xi32, #tpu.memory_space<vmem>>
      %dma_start3A_36 = tpu.memref_squeeze %dma_start3A_35 : memref<1x128xi32, #tpu.memory_space<vmem>> -> memref<128xi32, #tpu.memory_space<vmem>>
      %dma_start3A_37 = arith.constant 0 : i32
      %dma_start3A_38 = arith.constant 0 : i32
      %dma_start3A_39 = arith.constant 0 : i32
      %dma_start3A_40 = tpu.memref_slice %arg2[%dma_start3A_37, %dma_start3A_38, %dma_start3A_39] : memref<20224x2x128xbf16, #tpu.memory_space<hbm>> -> memref<20224x2x128xbf16, #tpu.memory_space<hbm>>
      tpu.enqueue_indirect_dma source(%dma_start3A_40 : memref<20224x2x128xbf16, #tpu.memory_space<hbm>>) target(%arg8 : memref<128x2x128xbf16, #tpu.memory_space<vmem>>) offsets(%dma_start3A_36 : memref<128xi32, #tpu.memory_space<vmem>>) semaphore(%arg10 : memref<!tpu.dma_semaphore, #tpu.memory_space<semaphore_mem>>)
      %dma_wait3A = arith.constant 0 : i32
      %dma_wait3A_41 = tpu.memref_slice %arg7[%scan3A_33, %dma_wait3A] : memref<40x128xi32, #tpu.memory_space<vmem>> -> memref<1x128xi32, #tpu.memory_space<vmem>>
      %dma_wait3A_42 = tpu.memref_squeeze %dma_wait3A_41 : memref<1x128xi32, #tpu.memory_space<vmem>> -> memref<128xi32, #tpu.memory_space<vmem>>
      %dma_wait3A_43 = arith.constant 0 : i32
      %dma_wait3A_44 = arith.constant 0 : i32
      %dma_wait3A_45 = arith.constant 0 : i32
      %dma_wait3A_46 = tpu.memref_slice %arg2[%dma_wait3A_43, %dma_wait3A_44, %dma_wait3A_45] : memref<20224x2x128xbf16, #tpu.memory_space<hbm>> -> memref<20224x2x128xbf16, #tpu.memory_space<hbm>>
      tpu.wait_indirect_dma semaphore(%arg10 : memref<!tpu.dma_semaphore, #tpu.memory_space<semaphore_mem>>) src(%dma_wait3A_46 : memref<20224x2x128xbf16, #tpu.memory_space<hbm>>) dst(%arg8 : memref<128x2x128xbf16, #tpu.memory_space<vmem>>)
      "tpu.region"() ({
        %run_scoped3A = tpu.sem_alloc : memref<!tpu.dma_semaphore, #tpu.memory_space<semaphore_mem>>
        %dma_start3A_48 = arith.constant 0 : i32
        %dma_start3A_49 = tpu.memref_slice %arg6[%scan3A_33, %dma_start3A_48] : memref<40x128xi32, #tpu.memory_space<vmem>> -> memref<1x128xi32, #tpu.memory_space<vmem>>
        %dma_start3A_50 = tpu.memref_squeeze %dma_start3A_49 : memref<1x128xi32, #tpu.memory_space<vmem>> -> memref<128xi32, #tpu.memory_space<vmem>>
        %dma_start3A_51 = arith.constant 0 : i32
        %dma_start3A_52 = arith.constant 0 : i32
        %dma_start3A_53 = arith.constant 0 : i32
        %dma_start3A_54 = tpu.memref_slice %arg9[%dma_start3A_51, %dma_start3A_52, %dma_start3A_53] : memref<10112x2x128xbf16, #tpu.memory_space<vmem_shared>> -> memref<10112x2x128xbf16, #tpu.memory_space<vmem_shared>>
        tpu.enqueue_indirect_dma source(%arg8 : memref<128x2x128xbf16, #tpu.memory_space<vmem>>) target(%dma_start3A_54 : memref<10112x2x128xbf16, #tpu.memory_space<vmem_shared>>) offsets(%dma_start3A_50 : memref<128xi32, #tpu.memory_space<vmem>>) semaphore(%run_scoped3A : memref<!tpu.dma_semaphore, #tpu.memory_space<semaphore_mem>>) {add = true}
        %dma_wait3A_55 = arith.constant 0 : i32
        %dma_wait3A_56 = tpu.memref_slice %arg6[%scan3A_33, %dma_wait3A_55] : memref<40x128xi32, #tpu.memory_space<vmem>> -> memref<1x128xi32, #tpu.memory_space<vmem>>
        %dma_wait3A_57 = tpu.memref_squeeze %dma_wait3A_56 : memref<1x128xi32, #tpu.memory_space<vmem>> -> memref<128xi32, #tpu.memory_space<vmem>>
        %dma_wait3A_58 = arith.constant 0 : i32
        %dma_wait3A_59 = arith.constant 0 : i32
        %dma_wait3A_60 = arith.constant 0 : i32
        %dma_wait3A_61 = tpu.memref_slice %arg9[%dma_wait3A_58, %dma_wait3A_59, %dma_wait3A_60] : memref<10112x2x128xbf16, #tpu.memory_space<vmem_shared>> -> memref<10112x2x128xbf16, #tpu.memory_space<vmem_shared>>
        tpu.wait_indirect_dma semaphore(%run_scoped3A : memref<!tpu.dma_semaphore, #tpu.memory_space<semaphore_mem>>) src(%arg8 : memref<128x2x128xbf16, #tpu.memory_space<vmem>>) dst(%dma_wait3A_61 : memref<10112x2x128xbf16, #tpu.memory_space<vmem_shared>>)
        tpu.yield
      }) : () -> ()
      %scan3A_47 = arith.constant 0 : i32
      scf.yield %scan3A_47 : i32
    }
    %scan3A_31 = arith.constant 40 : i32
    %barrier3A_32 = arith.constant 0 : index
    tpu.barrier barrier_id(%barrier3A_32)
    "tpu.region"() ({
      %run_scoped3A = tpu.sem_alloc : memref<!tpu.dma_semaphore, #tpu.memory_space<semaphore_mem>>
      %dma_start3A = arith.constant 0 : i32
      %dma_start3A_33 = arith.constant 0 : i32
      %dma_start3A_34 = tpu.memref_slice %arg5[%arg0, %multiple_of3A, %dma_start3A, %dma_start3A_33] : memref<2x10112x2x128xbf16, #tpu.memory_space<hbm>> -> memref<1x632x2x128xbf16, #tpu.memory_space<hbm>>
      %dma_start3A_35 = tpu.memref_squeeze %dma_start3A_34 : memref<1x632x2x128xbf16, #tpu.memory_space<hbm>> -> memref<632x2x128xbf16, #tpu.memory_space<hbm>>
      %dma_start3A_36 = arith.constant 0 : i32
      %dma_start3A_37 = arith.constant 0 : i32
      %dma_start3A_38 = tpu.memref_slice %arg9[%multiple_of3A, %dma_start3A_36, %dma_start3A_37] : memref<10112x2x128xbf16, #tpu.memory_space<vmem_shared>> -> memref<632x2x128xbf16, #tpu.memory_space<vmem_shared>>
      tpu.enqueue_dma source(%dma_start3A_38 : memref<632x2x128xbf16, #tpu.memory_space<vmem_shared>>) target(%dma_start3A_35 : memref<632x2x128xbf16, #tpu.memory_space<hbm>>) target_semaphore(%run_scoped3A : memref<!tpu.dma_semaphore, #tpu.memory_space<semaphore_mem>>)
      %dma_wait3A = arith.constant 0 : i32
      %dma_wait3A_39 = arith.constant 0 : i32
      %dma_wait3A_40 = tpu.memref_slice %arg5[%arg0, %multiple_of3A, %dma_wait3A, %dma_wait3A_39] : memref<2x10112x2x128xbf16, #tpu.memory_space<hbm>> -> memref<1x632x2x128xbf16, #tpu.memory_space<hbm>>
      %dma_wait3A_41 = tpu.memref_squeeze %dma_wait3A_40 : memref<1x632x2x128xbf16, #tpu.memory_space<hbm>> -> memref<632x2x128xbf16, #tpu.memory_space<hbm>>
      %dma_wait3A_42 = arith.constant 0 : i32
      %dma_wait3A_43 = arith.constant 0 : i32
      %dma_wait3A_44 = tpu.memref_slice %arg9[%multiple_of3A, %dma_wait3A_42, %dma_wait3A_43] : memref<10112x2x128xbf16, #tpu.memory_space<vmem_shared>> -> memref<632x2x128xbf16, #tpu.memory_space<vmem_shared>>
      tpu.wait_dma2 semaphore(%run_scoped3A : memref<!tpu.dma_semaphore, #tpu.memory_space<semaphore_mem>>) src(%dma_wait3A_44 : memref<632x2x128xbf16, #tpu.memory_space<vmem_shared>>) dst(%dma_wait3A_41 : memref<632x2x128xbf16, #tpu.memory_space<hbm>>)
      tpu.yield
    }) : () -> ()
    return
  }
}

#map = affine_map<(d0, d1) -> (0, 0, 0)>
#map1 = affine_map<(d0, d1) -> (0, 0, 0, 0)>
module attributes {stable_mosaic.version = 14 : i64} {
  func.func @_sc_agg_body(%arg0: i32, %arg1: i32, %arg2: memref<20224x2x128xbf16, #tpu.memory_space<hbm>>, %arg3: memref<16x40x128xi32, #tpu.memory_space<hbm>>, %arg4: memref<16x40x128xi32, #tpu.memory_space<hbm>>, %arg5: memref<2x10112x2x128xbf16, #tpu.memory_space<hbm>>, %arg6: memref<40x128xi32, #tpu.memory_space<vmem>>, %arg7: memref<40x128xi32, #tpu.memory_space<vmem>>, %arg8: memref<128x2x128xbf16, #tpu.memory_space<vmem>>, %arg9: memref<10112x2x128xbf16, #tpu.memory_space<vmem_shared>>, %arg10: memref<!tpu.dma_semaphore, #tpu.memory_space<semaphore_mem>>) attributes {dimension_semantics = [#tpu.dimension_semantics<core_parallel>, #tpu.dimension_semantics<subcore_parallel>], iteration_bounds = array<i64: 2, 16>, scalar_prefetch = 0 : i64, scratch_operands = 5 : i64, tpu.core_type = #tpu.core_type<sc_vector_subcore>, window_params = [{transform_indices = #map}, {transform_indices = #map}, {transform_indices = #map}, {transform_indices = #map1}]} {
    "tpu.region"() ({
      %run_scoped3A = tpu.sem_alloc : memref<!tpu.dma_semaphore, #tpu.memory_space<semaphore_mem>>
      %dma_start3A = arith.constant 0 : i32
      %dma_start3A_33 = arith.constant 0 : i32
      %dma_start3A_34 = tpu.memref_slice %arg3[%arg1, %dma_start3A, %dma_start3A_33] : memref<16x40x128xi32, #tpu.memory_space<hbm>> -> memref<1x40x128xi32, #tpu.memory_space<hbm>>
      %dma_start3A_35 = tpu.memref_squeeze %dma_start3A_34 : memref<1x40x128xi32, #tpu.memory_space<hbm>> -> memref<40x128xi32, #tpu.memory_space<hbm>>
      %dma_start3A_36 = arith.constant 0 : i32
      %dma_start3A_37 = arith.constant 0 : i32
      %dma_start3A_38 = tpu.memref_slice %arg3[%arg1, %dma_start3A_36, %dma_start3A_37] : memref<16x40x128xi32, #tpu.memory_space<hbm>> -> memref<1x40x128xi32, #tpu.memory_space<hbm>>
      %dma_start3A_39 = tpu.memref_squeeze %dma_start3A_38 : memref<1x40x128xi32, #tpu.memory_space<hbm>> -> memref<40x128xi32, #tpu.memory_space<hbm>>
      tpu.enqueue_dma source(%dma_start3A_39 : memref<40x128xi32, #tpu.memory_space<hbm>>) target(%arg7 : memref<40x128xi32, #tpu.memory_space<vmem>>) target_semaphore(%run_scoped3A : memref<!tpu.dma_semaphore, #tpu.memory_space<semaphore_mem>>)
      %dma_wait3A = arith.constant 0 : i32
      %dma_wait3A_40 = arith.constant 0 : i32
      %dma_wait3A_41 = tpu.memref_slice %arg3[%arg1, %dma_wait3A, %dma_wait3A_40] : memref<16x40x128xi32, #tpu.memory_space<hbm>> -> memref<1x40x128xi32, #tpu.memory_space<hbm>>
      %dma_wait3A_42 = tpu.memref_squeeze %dma_wait3A_41 : memref<1x40x128xi32, #tpu.memory_space<hbm>> -> memref<40x128xi32, #tpu.memory_space<hbm>>
      %dma_wait3A_43 = arith.constant 0 : i32
      %dma_wait3A_44 = arith.constant 0 : i32
      %dma_wait3A_45 = tpu.memref_slice %arg3[%arg1, %dma_wait3A_43, %dma_wait3A_44] : memref<16x40x128xi32, #tpu.memory_space<hbm>> -> memref<1x40x128xi32, #tpu.memory_space<hbm>>
      %dma_wait3A_46 = tpu.memref_squeeze %dma_wait3A_45 : memref<1x40x128xi32, #tpu.memory_space<hbm>> -> memref<40x128xi32, #tpu.memory_space<hbm>>
      tpu.wait_dma2 semaphore(%run_scoped3A : memref<!tpu.dma_semaphore, #tpu.memory_space<semaphore_mem>>) src(%dma_wait3A_46 : memref<40x128xi32, #tpu.memory_space<hbm>>) dst(%arg7 : memref<40x128xi32, #tpu.memory_space<vmem>>)
      tpu.yield
    }) : () -> ()
    "tpu.region"() ({
      %run_scoped3A = tpu.sem_alloc : memref<!tpu.dma_semaphore, #tpu.memory_space<semaphore_mem>>
      %dma_start3A = arith.constant 0 : i32
      %dma_start3A_33 = arith.constant 0 : i32
      %dma_start3A_34 = tpu.memref_slice %arg4[%arg1, %dma_start3A, %dma_start3A_33] : memref<16x40x128xi32, #tpu.memory_space<hbm>> -> memref<1x40x128xi32, #tpu.memory_space<hbm>>
      %dma_start3A_35 = tpu.memref_squeeze %dma_start3A_34 : memref<1x40x128xi32, #tpu.memory_space<hbm>> -> memref<40x128xi32, #tpu.memory_space<hbm>>
      %dma_start3A_36 = arith.constant 0 : i32
      %dma_start3A_37 = arith.constant 0 : i32
      %dma_start3A_38 = tpu.memref_slice %arg4[%arg1, %dma_start3A_36, %dma_start3A_37] : memref<16x40x128xi32, #tpu.memory_space<hbm>> -> memref<1x40x128xi32, #tpu.memory_space<hbm>>
      %dma_start3A_39 = tpu.memref_squeeze %dma_start3A_38 : memref<1x40x128xi32, #tpu.memory_space<hbm>> -> memref<40x128xi32, #tpu.memory_space<hbm>>
      tpu.enqueue_dma source(%dma_start3A_39 : memref<40x128xi32, #tpu.memory_space<hbm>>) target(%arg6 : memref<40x128xi32, #tpu.memory_space<vmem>>) target_semaphore(%run_scoped3A : memref<!tpu.dma_semaphore, #tpu.memory_space<semaphore_mem>>)
      %dma_wait3A = arith.constant 0 : i32
      %dma_wait3A_40 = arith.constant 0 : i32
      %dma_wait3A_41 = tpu.memref_slice %arg4[%arg1, %dma_wait3A, %dma_wait3A_40] : memref<16x40x128xi32, #tpu.memory_space<hbm>> -> memref<1x40x128xi32, #tpu.memory_space<hbm>>
      %dma_wait3A_42 = tpu.memref_squeeze %dma_wait3A_41 : memref<1x40x128xi32, #tpu.memory_space<hbm>> -> memref<40x128xi32, #tpu.memory_space<hbm>>
      %dma_wait3A_43 = arith.constant 0 : i32
      %dma_wait3A_44 = arith.constant 0 : i32
      %dma_wait3A_45 = tpu.memref_slice %arg4[%arg1, %dma_wait3A_43, %dma_wait3A_44] : memref<16x40x128xi32, #tpu.memory_space<hbm>> -> memref<1x40x128xi32, #tpu.memory_space<hbm>>
      %dma_wait3A_46 = tpu.memref_squeeze %dma_wait3A_45 : memref<1x40x128xi32, #tpu.memory_space<hbm>> -> memref<40x128xi32, #tpu.memory_space<hbm>>
      tpu.wait_dma2 semaphore(%run_scoped3A : memref<!tpu.dma_semaphore, #tpu.memory_space<semaphore_mem>>) src(%dma_wait3A_46 : memref<40x128xi32, #tpu.memory_space<hbm>>) dst(%arg6 : memref<40x128xi32, #tpu.memory_space<vmem>>)
      tpu.yield
    }) : () -> ()
    %mul3A = arith.constant 632 : i32
    %mul3A_0 = arith.muli %arg1, %mul3A : i32
    %multiple_of3A = tpu.assume_multiple %mul3A_0, 8 : i32
    %mul3A_1 = arith.constant 10112 : i32
    %mul3A_2 = arith.muli %arg0, %mul3A_1 : i32
    %scan3A = arith.constant 0 : i32
    %scan3A_3 = arith.constant 0 : i32
    %scan3A_4 = arith.constant 320 : i32
    %scan3A_5 = arith.addi %scan3A_3, %scan3A_4 : i32
    %scan3A_6 = arith.constant 1 : i32
    %scan3A_7 = scf.for %scan3A_33 = %scan3A_3 to %scan3A_5 step %scan3A_6 iter_args(%scan3A_34 = %scan3A) -> (i32)  : i32 {
      %jit3A = arith.constant 8 : i32
      %div3A = arith.divsi %scan3A_33, %jit3A : i32
      %sign3A = arith.constant 0 : i32
      %sign3A_35 = arith.cmpi sgt, %scan3A_33, %sign3A : i32
      %sign3A_36 = arith.extui %sign3A_35 : i1 to i32
      %sign3A_37 = arith.constant 0 : i32
      %sign3A_38 = arith.cmpi slt, %scan3A_33, %sign3A_37 : i32
      %sign3A_39 = arith.extui %sign3A_38 : i1 to i32
      %sign3A_40 = arith.subi %sign3A_36, %sign3A_39 : i32
      %sign3A_41 = arith.constant 0 : i32
      %sign3A_42 = arith.cmpi sgt, %jit3A, %sign3A_41 : i32
      %sign3A_43 = arith.extui %sign3A_42 : i1 to i32
      %sign3A_44 = arith.constant 0 : i32
      %sign3A_45 = arith.cmpi slt, %jit3A, %sign3A_44 : i32
      %sign3A_46 = arith.extui %sign3A_45 : i1 to i32
      %sign3A_47 = arith.subi %sign3A_43, %sign3A_46 : i32
      %ne3A = arith.cmpi ne, %sign3A_40, %sign3A_47 : i32
      %rem3A = arith.remsi %scan3A_33, %jit3A : i32
      %ne3A_48 = arith.constant 0 : i32
      %ne3A_49 = arith.cmpi ne, %rem3A, %ne3A_48 : i32
      %and3A = arith.andi %ne3A, %ne3A_49 : i1
      %sub3A = arith.constant 1 : i32
      %sub3A_50 = arith.subi %div3A, %sub3A : i32
      %select_n3A = arith.select %and3A, %sub3A_50, %div3A : i32
      %jit3A_51 = arith.constant 8 : i32
      %eq3A = arith.constant 0 : i32
      %eq3A_52 = arith.cmpi eq, %jit3A_51, %eq3A : i32
      %jit3A_53 = arith.constant 1 : i32
      %select_n3A_54 = arith.select %eq3A_52, %jit3A_53, %jit3A_51 : i32
      %rem3A_55 = arith.remsi %scan3A_33, %select_n3A_54 : i32
      %ne3A_56 = arith.constant 0 : i32
      %ne3A_57 = arith.cmpi ne, %rem3A_55, %ne3A_56 : i32
      %lt3A = arith.constant 0 : i32
      %lt3A_58 = arith.cmpi slt, %rem3A_55, %lt3A : i32
      %lt3A_59 = arith.constant 0 : i32
      %lt3A_60 = arith.cmpi slt, %select_n3A_54, %lt3A_59 : i32
      %ne3A_61 = arith.xori %lt3A_58, %lt3A_60 : i1
      %and3A_62 = arith.andi %ne3A_61, %ne3A_57 : i1
      %add3A_63 = arith.addi %rem3A_55, %select_n3A_54 : i32
      %select_n3A_64 = arith.select %and3A_62, %add3A_63, %rem3A_55 : i32
      %mul3A_65 = arith.constant 16 : i32
      %mul3A_66 = arith.muli %select_n3A_64, %mul3A_65 : i32
      %get3A = arith.index_cast %select_n3A : i32 to index
      %get3A_67 = arith.index_cast %mul3A_66 : i32 to index
      %get3A_68 = tpu.vector_load %arg7[%get3A, %get3A_67] {strides = array<i32>} : memref<40x128xi32, #tpu.memory_space<vmem>>, vector<16xi32>,
      %add3A_69 = vector.broadcast %mul3A_2 : i32 to vector<16xi32>
      %add3A_70 = arith.addi %get3A_68, %add3A_69 : vector<16xi32>
      %mul3A_71 = arith.constant 16 : i32
      %mul3A_72 = arith.muli %select_n3A_64, %mul3A_71 : i32
      %swap3A = arith.index_cast %select_n3A : i32 to index
      %swap3A_73 = arith.index_cast %mul3A_72 : i32 to index
      %swap3A_74 = tpu.vector_load %arg7[%swap3A, %swap3A_73] {strides = array<i32>} : memref<40x128xi32, #tpu.memory_space<vmem>>, vector<16xi32>,
      tpu.vector_store %arg7[%swap3A, %swap3A_73], %add3A_70 {strides = array<i32>} : memref<40x128xi32, #tpu.memory_space<vmem>>, vector<16xi32>,
      %scan3A_75 = arith.constant 0 : i32
      scf.yield %scan3A_75 : i32
    }
    %scan3A_8 = arith.constant 320 : i32
    %scan3A_9 = arith.constant 0 : i32
    %scan3A_10 = arith.constant 0 : i32
    %scan3A_11 = arith.constant 1024 : i32
    %scan3A_12 = arith.addi %scan3A_10, %scan3A_11 : i32
    %scan3A_13 = arith.constant 1 : i32
    %scan3A_14 = scf.for %scan3A_33 = %scan3A_10 to %scan3A_12 step %scan3A_13 iter_args(%scan3A_34 = %scan3A_9) -> (i32)  : i32 {
      %jit3A = arith.constant 8 : i32
      %div3A = arith.divsi %scan3A_33, %jit3A : i32
      %sign3A = arith.constant 0 : i32
      %sign3A_35 = arith.cmpi sgt, %scan3A_33, %sign3A : i32
      %sign3A_36 = arith.extui %sign3A_35 : i1 to i32
      %sign3A_37 = arith.constant 0 : i32
      %sign3A_38 = arith.cmpi slt, %scan3A_33, %sign3A_37 : i32
      %sign3A_39 = arith.extui %sign3A_38 : i1 to i32
      %sign3A_40 = arith.subi %sign3A_36, %sign3A_39 : i32
      %sign3A_41 = arith.constant 0 : i32
      %sign3A_42 = arith.cmpi sgt, %jit3A, %sign3A_41 : i32
      %sign3A_43 = arith.extui %sign3A_42 : i1 to i32
      %sign3A_44 = arith.constant 0 : i32
      %sign3A_45 = arith.cmpi slt, %jit3A, %sign3A_44 : i32
      %sign3A_46 = arith.extui %sign3A_45 : i1 to i32
      %sign3A_47 = arith.subi %sign3A_43, %sign3A_46 : i32
      %ne3A = arith.cmpi ne, %sign3A_40, %sign3A_47 : i32
      %rem3A = arith.remsi %scan3A_33, %jit3A : i32
      %ne3A_48 = arith.constant 0 : i32
      %ne3A_49 = arith.cmpi ne, %rem3A, %ne3A_48 : i32
      %and3A = arith.andi %ne3A, %ne3A_49 : i1
      %sub3A = arith.constant 1 : i32
      %sub3A_50 = arith.subi %div3A, %sub3A : i32
      %select_n3A = arith.select %and3A, %sub3A_50, %div3A : i32
      %jit3A_51 = arith.constant 8 : i32
      %eq3A = arith.constant 0 : i32
      %eq3A_52 = arith.cmpi eq, %jit3A_51, %eq3A : i32
      %jit3A_53 = arith.constant 1 : i32
      %select_n3A_54 = arith.select %eq3A_52, %jit3A_53, %jit3A_51 : i32
      %rem3A_55 = arith.remsi %scan3A_33, %select_n3A_54 : i32
      %ne3A_56 = arith.constant 0 : i32
      %ne3A_57 = arith.cmpi ne, %rem3A_55, %ne3A_56 : i32
      %lt3A = arith.constant 0 : i32
      %lt3A_58 = arith.cmpi slt, %rem3A_55, %lt3A : i32
      %lt3A_59 = arith.constant 0 : i32
      %lt3A_60 = arith.cmpi slt, %select_n3A_54, %lt3A_59 : i32
      %ne3A_61 = arith.xori %lt3A_58, %lt3A_60 : i1
      %and3A_62 = arith.andi %ne3A_61, %ne3A_57 : i1
      %add3A_63 = arith.addi %rem3A_55, %select_n3A_54 : i32
      %select_n3A_64 = arith.select %and3A_62, %add3A_63, %rem3A_55 : i32
      %jit3A_65 = arith.constant 4 : i32
      %div3A_66 = arith.divsi %select_n3A_64, %jit3A_65 : i32
      %sign3A_67 = arith.constant 0 : i32
      %sign3A_68 = arith.cmpi sgt, %select_n3A_64, %sign3A_67 : i32
      %sign3A_69 = arith.extui %sign3A_68 : i1 to i32
      %sign3A_70 = arith.constant 0 : i32
      %sign3A_71 = arith.cmpi slt, %select_n3A_64, %sign3A_70 : i32
      %sign3A_72 = arith.extui %sign3A_71 : i1 to i32
      %sign3A_73 = arith.subi %sign3A_69, %sign3A_72 : i32
      %sign3A_74 = arith.constant 0 : i32
      %sign3A_75 = arith.cmpi sgt, %jit3A_65, %sign3A_74 : i32
      %sign3A_76 = arith.extui %sign3A_75 : i1 to i32
      %sign3A_77 = arith.constant 0 : i32
      %sign3A_78 = arith.cmpi slt, %jit3A_65, %sign3A_77 : i32
      %sign3A_79 = arith.extui %sign3A_78 : i1 to i32
      %sign3A_80 = arith.subi %sign3A_76, %sign3A_79 : i32
      %ne3A_81 = arith.cmpi ne, %sign3A_73, %sign3A_80 : i32
      %rem3A_82 = arith.remsi %select_n3A_64, %jit3A_65 : i32
      %ne3A_83 = arith.constant 0 : i32
      %ne3A_84 = arith.cmpi ne, %rem3A_82, %ne3A_83 : i32
      %and3A_85 = arith.andi %ne3A_81, %ne3A_84 : i1
      %sub3A_86 = arith.constant 1 : i32
      %sub3A_87 = arith.subi %div3A_66, %sub3A_86 : i32
      %select_n3A_88 = arith.select %and3A_85, %sub3A_87, %div3A_66 : i32
      %jit3A_89 = arith.constant 4 : i32
      %eq3A_90 = arith.constant 0 : i32
      %eq3A_91 = arith.cmpi eq, %jit3A_89, %eq3A_90 : i32
      %jit3A_92 = arith.constant 1 : i32
      %select_n3A_93 = arith.select %eq3A_91, %jit3A_92, %jit3A_89 : i32
      %rem3A_94 = arith.remsi %scan3A_33, %select_n3A_93 : i32
      %ne3A_95 = arith.constant 0 : i32
      %ne3A_96 = arith.cmpi ne, %rem3A_94, %ne3A_95 : i32
      %lt3A_97 = arith.constant 0 : i32
      %lt3A_98 = arith.cmpi slt, %rem3A_94, %lt3A_97 : i32
      %lt3A_99 = arith.constant 0 : i32
      %lt3A_100 = arith.cmpi slt, %select_n3A_93, %lt3A_99 : i32
      %ne3A_101 = arith.xori %lt3A_98, %lt3A_100 : i1
      %and3A_102 = arith.andi %ne3A_101, %ne3A_96 : i1
      %add3A_103 = arith.addi %rem3A_94, %select_n3A_93 : i32
      %select_n3A_104 = arith.select %and3A_102, %add3A_103, %rem3A_94 : i32
      %broadcast_in_dim3A = arith.constant 0.000000e+00 : bf16
      %broadcast_in_dim3A_105 = vector.broadcast %broadcast_in_dim3A : bf16 to vector<32xbf16>
      %mul3A_106 = arith.constant 32 : i32
      %mul3A_107 = arith.muli %select_n3A_104, %mul3A_106 : i32
      %swap3A = arith.index_cast %select_n3A : i32 to index
      %swap3A_108 = arith.index_cast %select_n3A_88 : i32 to index
      %swap3A_109 = arith.index_cast %mul3A_107 : i32 to index
      %swap3A_110 = tpu.vector_load %arg8[%swap3A, %swap3A_108, %swap3A_109] {strides = array<i32>} : memref<128x2x128xbf16, #tpu.memory_space<vmem>>, vector<32xbf16>,
      tpu.vector_store %arg8[%swap3A, %swap3A_108, %swap3A_109], %broadcast_in_dim3A_105 {strides = array<i32>} : memref<128x2x128xbf16, #tpu.memory_space<vmem>>, vector<32xbf16>,
      %scan3A_111 = arith.constant 0 : i32
      scf.yield %scan3A_111 : i32
    }
    %scan3A_15 = arith.constant 1024 : i32
    %add3A = arith.constant 0 : i32
    %add3A_16 = arith.addi %multiple_of3A, %add3A : i32
    "tpu.region"() ({
      %run_scoped3A = tpu.sem_alloc : memref<!tpu.dma_semaphore, #tpu.memory_space<semaphore_mem>>
      %dma_start3A = arith.constant 0 : i32
      %dma_start3A_33 = arith.constant 0 : i32
      %dma_start3A_34 = tpu.memref_slice %arg9[%add3A_16, %dma_start3A, %dma_start3A_33] : memref<10112x2x128xbf16, #tpu.memory_space<vmem_shared>> -> memref<128x2x128xbf16, #tpu.memory_space<vmem_shared>>
      %dma_start3A_35 = arith.constant 0 : i32
      %dma_start3A_36 = arith.constant 0 : i32
      %dma_start3A_37 = tpu.memref_slice %arg9[%add3A_16, %dma_start3A_35, %dma_start3A_36] : memref<10112x2x128xbf16, #tpu.memory_space<vmem_shared>> -> memref<128x2x128xbf16, #tpu.memory_space<vmem_shared>>
      tpu.enqueue_dma source(%arg8 : memref<128x2x128xbf16, #tpu.memory_space<vmem>>) target(%dma_start3A_37 : memref<128x2x128xbf16, #tpu.memory_space<vmem_shared>>) target_semaphore(%run_scoped3A : memref<!tpu.dma_semaphore, #tpu.memory_space<semaphore_mem>>)
      %dma_wait3A = arith.constant 0 : i32
      %dma_wait3A_38 = arith.constant 0 : i32
      %dma_wait3A_39 = tpu.memref_slice %arg9[%add3A_16, %dma_wait3A, %dma_wait3A_38] : memref<10112x2x128xbf16, #tpu.memory_space<vmem_shared>> -> memref<128x2x128xbf16, #tpu.memory_space<vmem_shared>>
      %dma_wait3A_40 = arith.constant 0 : i32
      %dma_wait3A_41 = arith.constant 0 : i32
      %dma_wait3A_42 = tpu.memref_slice %arg9[%add3A_16, %dma_wait3A_40, %dma_wait3A_41] : memref<10112x2x128xbf16, #tpu.memory_space<vmem_shared>> -> memref<128x2x128xbf16, #tpu.memory_space<vmem_shared>>
      tpu.wait_dma2 semaphore(%run_scoped3A : memref<!tpu.dma_semaphore, #tpu.memory_space<semaphore_mem>>) src(%arg8 : memref<128x2x128xbf16, #tpu.memory_space<vmem>>) dst(%dma_wait3A_42 : memref<128x2x128xbf16, #tpu.memory_space<vmem_shared>>)
      tpu.yield
    }) : () -> ()
    %add3A_17 = arith.constant 128 : i32
    %add3A_18 = arith.addi %multiple_of3A, %add3A_17 : i32
    "tpu.region"() ({
      %run_scoped3A = tpu.sem_alloc : memref<!tpu.dma_semaphore, #tpu.memory_space<semaphore_mem>>
      %dma_start3A = arith.constant 0 : i32
      %dma_start3A_33 = arith.constant 0 : i32
      %dma_start3A_34 = tpu.memref_slice %arg9[%add3A_18, %dma_start3A, %dma_start3A_33] : memref<10112x2x128xbf16, #tpu.memory_space<vmem_shared>> -> memref<128x2x128xbf16, #tpu.memory_space<vmem_shared>>
      %dma_start3A_35 = arith.constant 0 : i32
      %dma_start3A_36 = arith.constant 0 : i32
      %dma_start3A_37 = tpu.memref_slice %arg9[%add3A_18, %dma_start3A_35, %dma_start3A_36] : memref<10112x2x128xbf16, #tpu.memory_space<vmem_shared>> -> memref<128x2x128xbf16, #tpu.memory_space<vmem_shared>>
      tpu.enqueue_dma source(%arg8 : memref<128x2x128xbf16, #tpu.memory_space<vmem>>) target(%dma_start3A_37 : memref<128x2x128xbf16, #tpu.memory_space<vmem_shared>>) target_semaphore(%run_scoped3A : memref<!tpu.dma_semaphore, #tpu.memory_space<semaphore_mem>>)
      %dma_wait3A = arith.constant 0 : i32
      %dma_wait3A_38 = arith.constant 0 : i32
      %dma_wait3A_39 = tpu.memref_slice %arg9[%add3A_18, %dma_wait3A, %dma_wait3A_38] : memref<10112x2x128xbf16, #tpu.memory_space<vmem_shared>> -> memref<128x2x128xbf16, #tpu.memory_space<vmem_shared>>
      %dma_wait3A_40 = arith.constant 0 : i32
      %dma_wait3A_41 = arith.constant 0 : i32
      %dma_wait3A_42 = tpu.memref_slice %arg9[%add3A_18, %dma_wait3A_40, %dma_wait3A_41] : memref<10112x2x128xbf16, #tpu.memory_space<vmem_shared>> -> memref<128x2x128xbf16, #tpu.memory_space<vmem_shared>>
      tpu.wait_dma2 semaphore(%run_scoped3A : memref<!tpu.dma_semaphore, #tpu.memory_space<semaphore_mem>>) src(%arg8 : memref<128x2x128xbf16, #tpu.memory_space<vmem>>) dst(%dma_wait3A_42 : memref<128x2x128xbf16, #tpu.memory_space<vmem_shared>>)
      tpu.yield
    }) : () -> ()
    %add3A_19 = arith.constant 256 : i32
    %add3A_20 = arith.addi %multiple_of3A, %add3A_19 : i32
    "tpu.region"() ({
      %run_scoped3A = tpu.sem_alloc : memref<!tpu.dma_semaphore, #tpu.memory_space<semaphore_mem>>
      %dma_start3A = arith.constant 0 : i32
      %dma_start3A_33 = arith.constant 0 : i32
      %dma_start3A_34 = tpu.memref_slice %arg9[%add3A_20, %dma_start3A, %dma_start3A_33] : memref<10112x2x128xbf16, #tpu.memory_space<vmem_shared>> -> memref<128x2x128xbf16, #tpu.memory_space<vmem_shared>>
      %dma_start3A_35 = arith.constant 0 : i32
      %dma_start3A_36 = arith.constant 0 : i32
      %dma_start3A_37 = tpu.memref_slice %arg9[%add3A_20, %dma_start3A_35, %dma_start3A_36] : memref<10112x2x128xbf16, #tpu.memory_space<vmem_shared>> -> memref<128x2x128xbf16, #tpu.memory_space<vmem_shared>>
      tpu.enqueue_dma source(%arg8 : memref<128x2x128xbf16, #tpu.memory_space<vmem>>) target(%dma_start3A_37 : memref<128x2x128xbf16, #tpu.memory_space<vmem_shared>>) target_semaphore(%run_scoped3A : memref<!tpu.dma_semaphore, #tpu.memory_space<semaphore_mem>>)
      %dma_wait3A = arith.constant 0 : i32
      %dma_wait3A_38 = arith.constant 0 : i32
      %dma_wait3A_39 = tpu.memref_slice %arg9[%add3A_20, %dma_wait3A, %dma_wait3A_38] : memref<10112x2x128xbf16, #tpu.memory_space<vmem_shared>> -> memref<128x2x128xbf16, #tpu.memory_space<vmem_shared>>
      %dma_wait3A_40 = arith.constant 0 : i32
      %dma_wait3A_41 = arith.constant 0 : i32
      %dma_wait3A_42 = tpu.memref_slice %arg9[%add3A_20, %dma_wait3A_40, %dma_wait3A_41] : memref<10112x2x128xbf16, #tpu.memory_space<vmem_shared>> -> memref<128x2x128xbf16, #tpu.memory_space<vmem_shared>>
      tpu.wait_dma2 semaphore(%run_scoped3A : memref<!tpu.dma_semaphore, #tpu.memory_space<semaphore_mem>>) src(%arg8 : memref<128x2x128xbf16, #tpu.memory_space<vmem>>) dst(%dma_wait3A_42 : memref<128x2x128xbf16, #tpu.memory_space<vmem_shared>>)
      tpu.yield
    }) : () -> ()
    %add3A_21 = arith.constant 384 : i32
    %add3A_22 = arith.addi %multiple_of3A, %add3A_21 : i32
    "tpu.region"() ({
      %run_scoped3A = tpu.sem_alloc : memref<!tpu.dma_semaphore, #tpu.memory_space<semaphore_mem>>
      %dma_start3A = arith.constant 0 : i32
      %dma_start3A_33 = arith.constant 0 : i32
      %dma_start3A_34 = tpu.memref_slice %arg9[%add3A_22, %dma_start3A, %dma_start3A_33] : memref<10112x2x128xbf16, #tpu.memory_space<vmem_shared>> -> memref<128x2x128xbf16, #tpu.memory_space<vmem_shared>>
      %dma_start3A_35 = arith.constant 0 : i32
      %dma_start3A_36 = arith.constant 0 : i32
      %dma_start3A_37 = tpu.memref_slice %arg9[%add3A_22, %dma_start3A_35, %dma_start3A_36] : memref<10112x2x128xbf16, #tpu.memory_space<vmem_shared>> -> memref<128x2x128xbf16, #tpu.memory_space<vmem_shared>>
      tpu.enqueue_dma source(%arg8 : memref<128x2x128xbf16, #tpu.memory_space<vmem>>) target(%dma_start3A_37 : memref<128x2x128xbf16, #tpu.memory_space<vmem_shared>>) target_semaphore(%run_scoped3A : memref<!tpu.dma_semaphore, #tpu.memory_space<semaphore_mem>>)
      %dma_wait3A = arith.constant 0 : i32
      %dma_wait3A_38 = arith.constant 0 : i32
      %dma_wait3A_39 = tpu.memref_slice %arg9[%add3A_22, %dma_wait3A, %dma_wait3A_38] : memref<10112x2x128xbf16, #tpu.memory_space<vmem_shared>> -> memref<128x2x128xbf16, #tpu.memory_space<vmem_shared>>
      %dma_wait3A_40 = arith.constant 0 : i32
      %dma_wait3A_41 = arith.constant 0 : i32
      %dma_wait3A_42 = tpu.memref_slice %arg9[%add3A_22, %dma_wait3A_40, %dma_wait3A_41] : memref<10112x2x128xbf16, #tpu.memory_space<vmem_shared>> -> memref<128x2x128xbf16, #tpu.memory_space<vmem_shared>>
      tpu.wait_dma2 semaphore(%run_scoped3A : memref<!tpu.dma_semaphore, #tpu.memory_space<semaphore_mem>>) src(%arg8 : memref<128x2x128xbf16, #tpu.memory_space<vmem>>) dst(%dma_wait3A_42 : memref<128x2x128xbf16, #tpu.memory_space<vmem_shared>>)
      tpu.yield
    }) : () -> ()
    %add3A_23 = arith.constant 512 : i32
    %add3A_24 = arith.addi %multiple_of3A, %add3A_23 : i32
    "tpu.region"() ({
      %run_scoped3A = tpu.sem_alloc : memref<!tpu.dma_semaphore, #tpu.memory_space<semaphore_mem>>
      %dma_start3A = arith.constant 0 : i32
      %dma_start3A_33 = arith.constant 0 : i32
      %dma_start3A_34 = arith.constant 0 : i32
      %dma_start3A_35 = tpu.memref_slice %arg8[%dma_start3A, %dma_start3A_33, %dma_start3A_34] : memref<128x2x128xbf16, #tpu.memory_space<vmem>> -> memref<120x2x128xbf16, #tpu.memory_space<vmem>>
      %dma_start3A_36 = arith.constant 0 : i32
      %dma_start3A_37 = arith.constant 0 : i32
      %dma_start3A_38 = tpu.memref_slice %arg9[%add3A_24, %dma_start3A_36, %dma_start3A_37] : memref<10112x2x128xbf16, #tpu.memory_space<vmem_shared>> -> memref<120x2x128xbf16, #tpu.memory_space<vmem_shared>>
      %dma_start3A_39 = arith.constant 0 : i32
      %dma_start3A_40 = arith.constant 0 : i32
      %dma_start3A_41 = tpu.memref_slice %arg9[%add3A_24, %dma_start3A_39, %dma_start3A_40] : memref<10112x2x128xbf16, #tpu.memory_space<vmem_shared>> -> memref<120x2x128xbf16, #tpu.memory_space<vmem_shared>>
      %dma_start3A_42 = arith.constant 0 : i32
      %dma_start3A_43 = arith.constant 0 : i32
      %dma_start3A_44 = arith.constant 0 : i32
      %dma_start3A_45 = tpu.memref_slice %arg8[%dma_start3A_42, %dma_start3A_43, %dma_start3A_44] : memref<128x2x128xbf16, #tpu.memory_space<vmem>> -> memref<120x2x128xbf16, #tpu.memory_space<vmem>>
      tpu.enqueue_dma source(%dma_start3A_45 : memref<120x2x128xbf16, #tpu.memory_space<vmem>>) target(%dma_start3A_41 : memref<120x2x128xbf16, #tpu.memory_space<vmem_shared>>) target_semaphore(%run_scoped3A : memref<!tpu.dma_semaphore, #tpu.memory_space<semaphore_mem>>)
      %dma_wait3A = arith.constant 0 : i32
      %dma_wait3A_46 = arith.constant 0 : i32
      %dma_wait3A_47 = arith.constant 0 : i32
      %dma_wait3A_48 = tpu.memref_slice %arg8[%dma_wait3A, %dma_wait3A_46, %dma_wait3A_47] : memref<128x2x128xbf16, #tpu.memory_space<vmem>> -> memref<120x2x128xbf16, #tpu.memory_space<vmem>>
      %dma_wait3A_49 = arith.constant 0 : i32
      %dma_wait3A_50 = arith.constant 0 : i32
      %dma_wait3A_51 = tpu.memref_slice %arg9[%add3A_24, %dma_wait3A_49, %dma_wait3A_50] : memref<10112x2x128xbf16, #tpu.memory_space<vmem_shared>> -> memref<120x2x128xbf16, #tpu.memory_space<vmem_shared>>
      %dma_wait3A_52 = arith.constant 0 : i32
      %dma_wait3A_53 = arith.constant 0 : i32
      %dma_wait3A_54 = tpu.memref_slice %arg9[%add3A_24, %dma_wait3A_52, %dma_wait3A_53] : memref<10112x2x128xbf16, #tpu.memory_space<vmem_shared>> -> memref<120x2x128xbf16, #tpu.memory_space<vmem_shared>>
      %dma_wait3A_55 = arith.constant 0 : i32
      %dma_wait3A_56 = arith.constant 0 : i32
      %dma_wait3A_57 = arith.constant 0 : i32
      %dma_wait3A_58 = tpu.memref_slice %arg8[%dma_wait3A_55, %dma_wait3A_56, %dma_wait3A_57] : memref<128x2x128xbf16, #tpu.memory_space<vmem>> -> memref<120x2x128xbf16, #tpu.memory_space<vmem>>
      tpu.wait_dma2 semaphore(%run_scoped3A : memref<!tpu.dma_semaphore, #tpu.memory_space<semaphore_mem>>) src(%dma_wait3A_58 : memref<120x2x128xbf16, #tpu.memory_space<vmem>>) dst(%dma_wait3A_54 : memref<120x2x128xbf16, #tpu.memory_space<vmem_shared>>)
      tpu.yield
    }) : () -> ()
    %barrier3A = arith.constant 0 : index
    tpu.barrier barrier_id(%barrier3A)
    %scan3A_25 = arith.constant 0 : i32
    %scan3A_26 = arith.constant 0 : i32
    %scan3A_27 = arith.constant 40 : i32
    %scan3A_28 = arith.addi %scan3A_26, %scan3A_27 : i32
    %scan3A_29 = arith.constant 1 : i32
    %scan3A_30 = scf.for %scan3A_33 = %scan3A_26 to %scan3A_28 step %scan3A_29 iter_args(%scan3A_34 = %scan3A_25) -> (i32)  : i32 {
      %dma_start3A = arith.constant 0 : i32
      %dma_start3A_35 = tpu.memref_slice %arg7[%scan3A_33, %dma_start3A] : memref<40x128xi32, #tpu.memory_space<vmem>> -> memref<1x128xi32, #tpu.memory_space<vmem>>
      %dma_start3A_36 = tpu.memref_squeeze %dma_start3A_35 : memref<1x128xi32, #tpu.memory_space<vmem>> -> memref<128xi32, #tpu.memory_space<vmem>>
      %dma_start3A_37 = arith.constant 0 : i32
      %dma_start3A_38 = arith.constant 0 : i32
      %dma_start3A_39 = arith.constant 0 : i32
      %dma_start3A_40 = tpu.memref_slice %arg2[%dma_start3A_37, %dma_start3A_38, %dma_start3A_39] : memref<20224x2x128xbf16, #tpu.memory_space<hbm>> -> memref<20224x2x128xbf16, #tpu.memory_space<hbm>>
      tpu.enqueue_indirect_dma source(%dma_start3A_40 : memref<20224x2x128xbf16, #tpu.memory_space<hbm>>) target(%arg8 : memref<128x2x128xbf16, #tpu.memory_space<vmem>>) offsets(%dma_start3A_36 : memref<128xi32, #tpu.memory_space<vmem>>) semaphore(%arg10 : memref<!tpu.dma_semaphore, #tpu.memory_space<semaphore_mem>>)
      %dma_wait3A = arith.constant 0 : i32
      %dma_wait3A_41 = tpu.memref_slice %arg7[%scan3A_33, %dma_wait3A] : memref<40x128xi32, #tpu.memory_space<vmem>> -> memref<1x128xi32, #tpu.memory_space<vmem>>
      %dma_wait3A_42 = tpu.memref_squeeze %dma_wait3A_41 : memref<1x128xi32, #tpu.memory_space<vmem>> -> memref<128xi32, #tpu.memory_space<vmem>>
      %dma_wait3A_43 = arith.constant 0 : i32
      %dma_wait3A_44 = arith.constant 0 : i32
      %dma_wait3A_45 = arith.constant 0 : i32
      %dma_wait3A_46 = tpu.memref_slice %arg2[%dma_wait3A_43, %dma_wait3A_44, %dma_wait3A_45] : memref<20224x2x128xbf16, #tpu.memory_space<hbm>> -> memref<20224x2x128xbf16, #tpu.memory_space<hbm>>
      tpu.wait_indirect_dma semaphore(%arg10 : memref<!tpu.dma_semaphore, #tpu.memory_space<semaphore_mem>>) src(%dma_wait3A_46 : memref<20224x2x128xbf16, #tpu.memory_space<hbm>>) dst(%arg8 : memref<128x2x128xbf16, #tpu.memory_space<vmem>>)
      "tpu.region"() ({
        %run_scoped3A = tpu.sem_alloc : memref<!tpu.dma_semaphore, #tpu.memory_space<semaphore_mem>>
        %dma_start3A_48 = arith.constant 0 : i32
        %dma_start3A_49 = tpu.memref_slice %arg6[%scan3A_33, %dma_start3A_48] : memref<40x128xi32, #tpu.memory_space<vmem>> -> memref<1x128xi32, #tpu.memory_space<vmem>>
        %dma_start3A_50 = tpu.memref_squeeze %dma_start3A_49 : memref<1x128xi32, #tpu.memory_space<vmem>> -> memref<128xi32, #tpu.memory_space<vmem>>
        %dma_start3A_51 = arith.constant 0 : i32
        %dma_start3A_52 = arith.constant 0 : i32
        %dma_start3A_53 = arith.constant 0 : i32
        %dma_start3A_54 = tpu.memref_slice %arg9[%dma_start3A_51, %dma_start3A_52, %dma_start3A_53] : memref<10112x2x128xbf16, #tpu.memory_space<vmem_shared>> -> memref<10112x2x128xbf16, #tpu.memory_space<vmem_shared>>
        tpu.enqueue_indirect_dma source(%arg8 : memref<128x2x128xbf16, #tpu.memory_space<vmem>>) target(%dma_start3A_54 : memref<10112x2x128xbf16, #tpu.memory_space<vmem_shared>>) offsets(%dma_start3A_50 : memref<128xi32, #tpu.memory_space<vmem>>) semaphore(%run_scoped3A : memref<!tpu.dma_semaphore, #tpu.memory_space<semaphore_mem>>) {add = true}
        %dma_wait3A_55 = arith.constant 0 : i32
        %dma_wait3A_56 = tpu.memref_slice %arg6[%scan3A_33, %dma_wait3A_55] : memref<40x128xi32, #tpu.memory_space<vmem>> -> memref<1x128xi32, #tpu.memory_space<vmem>>
        %dma_wait3A_57 = tpu.memref_squeeze %dma_wait3A_56 : memref<1x128xi32, #tpu.memory_space<vmem>> -> memref<128xi32, #tpu.memory_space<vmem>>
        %dma_wait3A_58 = arith.constant 0 : i32
        %dma_wait3A_59 = arith.constant 0 : i32
        %dma_wait3A_60 = arith.constant 0 : i32
        %dma_wait3A_61 = tpu.memref_slice %arg9[%dma_wait3A_58, %dma_wait3A_59, %dma_wait3A_60] : memref<10112x2x128xbf16, #tpu.memory_space<vmem_shared>> -> memref<10112x2x128xbf16, #tpu.memory_space<vmem_shared>>
        tpu.wait_indirect_dma semaphore(%run_scoped3A : memref<!tpu.dma_semaphore, #tpu.memory_space<semaphore_mem>>) src(%arg8 : memref<128x2x128xbf16, #tpu.memory_space<vmem>>) dst(%dma_wait3A_61 : memref<10112x2x128xbf16, #tpu.memory_space<vmem_shared>>)
        tpu.yield
      }) : () -> ()
      %scan3A_47 = arith.constant 0 : i32
      scf.yield %scan3A_47 : i32
    }
    %scan3A_31 = arith.constant 40 : i32
    %barrier3A_32 = arith.constant 0 : index
    tpu.barrier barrier_id(%barrier3A_32)
    "tpu.region"() ({
      %run_scoped3A = tpu.sem_alloc : memref<!tpu.dma_semaphore, #tpu.memory_space<semaphore_mem>>
      %dma_start3A = arith.constant 0 : i32
      %dma_start3A_33 = arith.constant 0 : i32
      %dma_start3A_34 = tpu.memref_slice %arg5[%arg0, %multiple_of3A, %dma_start3A, %dma_start3A_33] : memref<2x10112x2x128xbf16, #tpu.memory_space<hbm>> -> memref<1x632x2x128xbf16, #tpu.memory_space<hbm>>
      %dma_start3A_35 = tpu.memref_squeeze %dma_start3A_34 : memref<1x632x2x128xbf16, #tpu.memory_space<hbm>> -> memref<632x2x128xbf16, #tpu.memory_space<hbm>>
      %dma_start3A_36 = arith.constant 0 : i32
      %dma_start3A_37 = arith.constant 0 : i32
      %dma_start3A_38 = tpu.memref_slice %arg9[%multiple_of3A, %dma_start3A_36, %dma_start3A_37] : memref<10112x2x128xbf16, #tpu.memory_space<vmem_shared>> -> memref<632x2x128xbf16, #tpu.memory_space<vmem_shared>>
      tpu.enqueue_dma source(%dma_start3A_38 : memref<632x2x128xbf16, #tpu.memory_space<vmem_shared>>) target(%dma_start3A_35 : memref<632x2x128xbf16, #tpu.memory_space<hbm>>) target_semaphore(%run_scoped3A : memref<!tpu.dma_semaphore, #tpu.memory_space<semaphore_mem>>)
      %dma_wait3A = arith.constant 0 : i32
      %dma_wait3A_39 = arith.constant 0 : i32
      %dma_wait3A_40 = tpu.memref_slice %arg5[%arg0, %multiple_of3A, %dma_wait3A, %dma_wait3A_39] : memref<2x10112x2x128xbf16, #tpu.memory_space<hbm>> -> memref<1x632x2x128xbf16, #tpu.memory_space<hbm>>
      %dma_wait3A_41 = tpu.memref_squeeze %dma_wait3A_40 : memref<1x632x2x128xbf16, #tpu.memory_space<hbm>> -> memref<632x2x128xbf16, #tpu.memory_space<hbm>>
      %dma_wait3A_42 = arith.constant 0 : i32
      %dma_wait3A_43 = arith.constant 0 : i32
      %dma_wait3A_44 = tpu.memref_slice %arg9[%multiple_of3A, %dma_wait3A_42, %dma_wait3A_43] : memref<10112x2x128xbf16, #tpu.memory_space<vmem_shared>> -> memref<632x2x128xbf16, #tpu.memory_space<vmem_shared>>
      tpu.wait_dma2 semaphore(%run_scoped3A : memref<!tpu.dma_semaphore, #tpu.memory_space<semaphore_mem>>) src(%dma_wait3A_44 : memref<632x2x128xbf16, #tpu.memory_space<vmem_shared>>) dst(%dma_wait3A_41 : memref<632x2x128xbf16, #tpu.memory_space<hbm>>)
      tpu.yield
    }) : () -> ()
    return
  }
}

#map = affine_map<(d0, d1) -> (0, 0, 0)>
module attributes {stable_mosaic.version = 14 : i64} {
  func.func @_sc_deg_body(%arg0: i32, %arg1: i32, %arg2: memref<32x20x128xi32, #tpu.memory_space<hbm>>, %arg3: memref<32x1x10112xf32, #tpu.memory_space<hbm>>, %arg4: memref<20x128xi32, #tpu.memory_space<vmem>>, %arg5: memref<10112xf32, #tpu.memory_space<vmem>>) attributes {dimension_semantics = [#tpu.dimension_semantics<core_parallel>, #tpu.dimension_semantics<subcore_parallel>], iteration_bounds = array<i64: 2, 16>, scalar_prefetch = 0 : i64, scratch_operands = 2 : i64, tpu.core_type = #tpu.core_type<sc_vector_subcore>, window_params = [{transform_indices = #map}, {transform_indices = #map}]} {
    %mul3A = arith.constant 2 : i32
    %mul3A_0 = arith.muli %arg1, %mul3A : i32
    %add3A = arith.addi %mul3A_0, %arg0 : i32
    "tpu.region"() ({
      %run_scoped3A_15 = tpu.sem_alloc : memref<!tpu.dma_semaphore, #tpu.memory_space<semaphore_mem>>
      %dma_start3A = arith.constant 0 : i32
      %dma_start3A_16 = arith.constant 0 : i32
      %dma_start3A_17 = tpu.memref_slice %arg2[%add3A, %dma_start3A, %dma_start3A_16] : memref<32x20x128xi32, #tpu.memory_space<hbm>> -> memref<1x20x128xi32, #tpu.memory_space<hbm>>
      %dma_start3A_18 = tpu.memref_squeeze %dma_start3A_17 : memref<1x20x128xi32, #tpu.memory_space<hbm>> -> memref<20x128xi32, #tpu.memory_space<hbm>>
      %dma_start3A_19 = arith.constant 0 : i32
      %dma_start3A_20 = arith.constant 0 : i32
      %dma_start3A_21 = tpu.memref_slice %arg2[%add3A, %dma_start3A_19, %dma_start3A_20] : memref<32x20x128xi32, #tpu.memory_space<hbm>> -> memref<1x20x128xi32, #tpu.memory_space<hbm>>
      %dma_start3A_22 = tpu.memref_squeeze %dma_start3A_21 : memref<1x20x128xi32, #tpu.memory_space<hbm>> -> memref<20x128xi32, #tpu.memory_space<hbm>>
      tpu.enqueue_dma source(%dma_start3A_22 : memref<20x128xi32, #tpu.memory_space<hbm>>) target(%arg4 : memref<20x128xi32, #tpu.memory_space<vmem>>) target_semaphore(%run_scoped3A_15 : memref<!tpu.dma_semaphore, #tpu.memory_space<semaphore_mem>>)
      %dma_wait3A = arith.constant 0 : i32
      %dma_wait3A_23 = arith.constant 0 : i32
      %dma_wait3A_24 = tpu.memref_slice %arg2[%add3A, %dma_wait3A, %dma_wait3A_23] : memref<32x20x128xi32, #tpu.memory_space<hbm>> -> memref<1x20x128xi32, #tpu.memory_space<hbm>>
      %dma_wait3A_25 = tpu.memref_squeeze %dma_wait3A_24 : memref<1x20x128xi32, #tpu.memory_space<hbm>> -> memref<20x128xi32, #tpu.memory_space<hbm>>
      %dma_wait3A_26 = arith.constant 0 : i32
      %dma_wait3A_27 = arith.constant 0 : i32
      %dma_wait3A_28 = tpu.memref_slice %arg2[%add3A, %dma_wait3A_26, %dma_wait3A_27] : memref<32x20x128xi32, #tpu.memory_space<hbm>> -> memref<1x20x128xi32, #tpu.memory_space<hbm>>
      %dma_wait3A_29 = tpu.memref_squeeze %dma_wait3A_28 : memref<1x20x128xi32, #tpu.memory_space<hbm>> -> memref<20x128xi32, #tpu.memory_space<hbm>>
      tpu.wait_dma2 semaphore(%run_scoped3A_15 : memref<!tpu.dma_semaphore, #tpu.memory_space<semaphore_mem>>) src(%dma_wait3A_29 : memref<20x128xi32, #tpu.memory_space<hbm>>) dst(%arg4 : memref<20x128xi32, #tpu.memory_space<vmem>>)
      tpu.yield
    }) : () -> ()
    %scan3A = arith.constant 0 : i32
    %scan3A_1 = arith.constant 0 : i32
    %scan3A_2 = arith.constant 632 : i32
    %scan3A_3 = arith.addi %scan3A_1, %scan3A_2 : i32
    %scan3A_4 = arith.constant 1 : i32
    %scan3A_5 = scf.for %scan3A_15 = %scan3A_1 to %scan3A_3 step %scan3A_4 iter_args(%scan3A_16 = %scan3A) -> (i32)  : i32 {
      %broadcast_in_dim3A_17 = arith.constant 0.000000e+00 : f32
      %broadcast_in_dim3A_18 = vector.broadcast %broadcast_in_dim3A_17 : f32 to vector<16xf32>
      %mul3A_19 = arith.constant 16 : i32
      %mul3A_20 = arith.muli %scan3A_15, %mul3A_19 : i32
      %swap3A = arith.index_cast %mul3A_20 : i32 to index
      %swap3A_21 = tpu.vector_load %arg5[%swap3A] {strides = array<i32>} : memref<10112xf32, #tpu.memory_space<vmem>>, vector<16xf32>,
      tpu.vector_store %arg5[%swap3A], %broadcast_in_dim3A_18 {strides = array<i32>} : memref<10112xf32, #tpu.memory_space<vmem>>, vector<16xf32>,
      %scan3A_22 = arith.constant 0 : i32
      scf.yield %scan3A_22 : i32
    }
    %scan3A_6 = arith.constant 632 : i32
    %broadcast_in_dim3A = arith.constant 1.000000e+00 : f32
    %broadcast_in_dim3A_7 = vector.broadcast %broadcast_in_dim3A : f32 to vector<16xf32>
    %scan3A_8 = arith.constant 0 : i32
    %scan3A_9 = arith.constant 0 : i32
    %scan3A_10 = arith.constant 160 : i32
    %scan3A_11 = arith.addi %scan3A_9, %scan3A_10 : i32
    %scan3A_12 = arith.constant 1 : i32
    %scan3A_13 = scf.for %scan3A_15 = %scan3A_9 to %scan3A_11 step %scan3A_12 iter_args(%scan3A_16 = %scan3A_8) -> (i32)  : i32 {
      %jit3A = arith.constant 8 : i32
      %div3A = arith.divsi %scan3A_15, %jit3A : i32
      %sign3A = arith.constant 0 : i32
      %sign3A_17 = arith.cmpi sgt, %scan3A_15, %sign3A : i32
      %sign3A_18 = arith.extui %sign3A_17 : i1 to i32
      %sign3A_19 = arith.constant 0 : i32
      %sign3A_20 = arith.cmpi slt, %scan3A_15, %sign3A_19 : i32
      %sign3A_21 = arith.extui %sign3A_20 : i1 to i32
      %sign3A_22 = arith.subi %sign3A_18, %sign3A_21 : i32
      %sign3A_23 = arith.constant 0 : i32
      %sign3A_24 = arith.cmpi sgt, %jit3A, %sign3A_23 : i32
      %sign3A_25 = arith.extui %sign3A_24 : i1 to i32
      %sign3A_26 = arith.constant 0 : i32
      %sign3A_27 = arith.cmpi slt, %jit3A, %sign3A_26 : i32
      %sign3A_28 = arith.extui %sign3A_27 : i1 to i32
      %sign3A_29 = arith.subi %sign3A_25, %sign3A_28 : i32
      %ne3A = arith.cmpi ne, %sign3A_22, %sign3A_29 : i32
      %rem3A = arith.remsi %scan3A_15, %jit3A : i32
      %ne3A_30 = arith.constant 0 : i32
      %ne3A_31 = arith.cmpi ne, %rem3A, %ne3A_30 : i32
      %and3A = arith.andi %ne3A, %ne3A_31 : i1
      %sub3A = arith.constant 1 : i32
      %sub3A_32 = arith.subi %div3A, %sub3A : i32
      %select_n3A = arith.select %and3A, %sub3A_32, %div3A : i32
      %jit3A_33 = arith.constant 8 : i32
      %eq3A = arith.constant 0 : i32
      %eq3A_34 = arith.cmpi eq, %jit3A_33, %eq3A : i32
      %jit3A_35 = arith.constant 1 : i32
      %select_n3A_36 = arith.select %eq3A_34, %jit3A_35, %jit3A_33 : i32
      %rem3A_37 = arith.remsi %scan3A_15, %select_n3A_36 : i32
      %ne3A_38 = arith.constant 0 : i32
      %ne3A_39 = arith.cmpi ne, %rem3A_37, %ne3A_38 : i32
      %lt3A = arith.constant 0 : i32
      %lt3A_40 = arith.cmpi slt, %rem3A_37, %lt3A : i32
      %lt3A_41 = arith.constant 0 : i32
      %lt3A_42 = arith.cmpi slt, %select_n3A_36, %lt3A_41 : i32
      %ne3A_43 = arith.xori %lt3A_40, %lt3A_42 : i1
      %and3A_44 = arith.andi %ne3A_43, %ne3A_39 : i1
      %add3A_45 = arith.addi %rem3A_37, %select_n3A_36 : i32
      %select_n3A_46 = arith.select %and3A_44, %add3A_45, %rem3A_37 : i32
      %mul3A_47 = arith.constant 16 : i32
      %mul3A_48 = arith.muli %select_n3A_46, %mul3A_47 : i32
      %get3A = arith.index_cast %select_n3A : i32 to index
      %get3A_49 = arith.index_cast %mul3A_48 : i32 to index
      %get3A_50 = tpu.vector_load %arg4[%get3A, %get3A_49] {strides = array<i32>} : memref<20x128xi32, #tpu.memory_space<vmem>>, vector<16xi32>,
      tpu.vector_store_idx %arg5[%get3A_50], %broadcast_in_dim3A_7 {add = true} : memref<10112xf32, #tpu.memory_space<vmem>>[vector<16xi32>], vector<16xf32>,
      %scan3A_51 = arith.constant 0 : i32
      scf.yield %scan3A_51 : i32
    }
    %scan3A_14 = arith.constant 160 : i32
    %run_scoped3A = arith.constant 0 : i32
    "tpu.region"() ({
      %run_scoped3A_15 = tpu.sem_alloc : memref<!tpu.dma_semaphore, #tpu.memory_space<semaphore_mem>>
      %dma_start3A = arith.constant 0 : i32
      %dma_start3A_16 = tpu.memref_slice %arg3[%add3A, %run_scoped3A, %dma_start3A] : memref<32x1x10112xf32, #tpu.memory_space<hbm>> -> memref<1x1x10112xf32, #tpu.memory_space<hbm>>
      %dma_start3A_17 = tpu.memref_squeeze %dma_start3A_16 : memref<1x1x10112xf32, #tpu.memory_space<hbm>> -> memref<10112xf32, #tpu.memory_space<hbm>>
      %dma_start3A_18 = arith.constant 0 : i32
      %dma_start3A_19 = tpu.memref_slice %arg3[%add3A, %run_scoped3A, %dma_start3A_18] : memref<32x1x10112xf32, #tpu.memory_space<hbm>> -> memref<1x1x10112xf32, #tpu.memory_space<hbm>>
      %dma_start3A_20 = tpu.memref_squeeze %dma_start3A_19 : memref<1x1x10112xf32, #tpu.memory_space<hbm>> -> memref<10112xf32, #tpu.memory_space<hbm>>
      tpu.enqueue_dma source(%arg5 : memref<10112xf32, #tpu.memory_space<vmem>>) target(%dma_start3A_20 : memref<10112xf32, #tpu.memory_space<hbm>>) target_semaphore(%run_scoped3A_15 : memref<!tpu.dma_semaphore, #tpu.memory_space<semaphore_mem>>)
      %dma_wait3A = arith.constant 0 : i32
      %dma_wait3A_21 = tpu.memref_slice %arg3[%add3A, %run_scoped3A, %dma_wait3A] : memref<32x1x10112xf32, #tpu.memory_space<hbm>> -> memref<1x1x10112xf32, #tpu.memory_space<hbm>>
      %dma_wait3A_22 = tpu.memref_squeeze %dma_wait3A_21 : memref<1x1x10112xf32, #tpu.memory_space<hbm>> -> memref<10112xf32, #tpu.memory_space<hbm>>
      %dma_wait3A_23 = arith.constant 0 : i32
      %dma_wait3A_24 = tpu.memref_slice %arg3[%add3A, %run_scoped3A, %dma_wait3A_23] : memref<32x1x10112xf32, #tpu.memory_space<hbm>> -> memref<1x1x10112xf32, #tpu.memory_space<hbm>>
      %dma_wait3A_25 = tpu.memref_squeeze %dma_wait3A_24 : memref<1x1x10112xf32, #tpu.memory_space<hbm>> -> memref<10112xf32, #tpu.memory_space<hbm>>
      tpu.wait_dma2 semaphore(%run_scoped3A_15 : memref<!tpu.dma_semaphore, #tpu.memory_space<semaphore_mem>>) src(%arg5 : memref<10112xf32, #tpu.memory_space<vmem>>) dst(%dma_wait3A_25 : memref<10112xf32, #tpu.memory_space<hbm>>)
      tpu.yield
    }) : () -> ()
    return
  }
}

module attributes {stable_mosaic.version = 14 : i64} {
  func.func @_dinv_body(%arg0: memref<32x10112xf32, #tpu.memory_space<vmem>>, %arg1: memref<1x10112xf32, #tpu.memory_space<vmem>>) attributes {dimension_semantics = [], scalar_prefetch = 0 : i64, scratch_operands = 0 : i64, tpu.core_type = #tpu.core_type<tc>} {
    %get3A = arith.constant 0 : index
    %get3A_0 = arith.constant 0 : index
    %get3A_1 = vector.load %arg0[%get3A, %get3A_0] : memref<32x10112xf32, #tpu.memory_space<vmem>>, vector<32x10112xf32>
    %reduce_sum3A = arith.constant dense<0.000000e+00> : vector<10112xf32>
    %reduce_sum3A_2 = vector.multi_reduction <add>, %get3A_1, %reduce_sum3A [0] : vector<32x10112xf32> to vector<10112xf32>
    %broadcast_in_dim3A = vector.shape_cast %reduce_sum3A_2 : vector<10112xf32> to vector<1x10112xf32>
    %add3A = arith.constant 1.000000e+00 : f32
    %add3A_3 = vector.broadcast %add3A : f32 to vector<1x10112xf32>
    %add3A_4 = arith.addf %broadcast_in_dim3A, %add3A_3 : vector<1x10112xf32>
    %rsqrt3A = math.rsqrt %add3A_4 : vector<1x10112xf32>
    %swap3A = arith.constant 0 : index
    %swap3A_5 = arith.constant 0 : index
    %swap3A_6 = vector.load %arg1[%swap3A, %swap3A_5] : memref<1x10112xf32, #tpu.memory_space<vmem>>, vector<1x10112xf32>
    tpu.vector_store %arg1[%swap3A, %swap3A_5], %rsqrt3A {strides = array<i32>} : memref<1x10112xf32, #tpu.memory_space<vmem>>, vector<1x10112xf32>,
    return
  }
}

module attributes {stable_mosaic.version = 14 : i64} {
  func.func @_mm1a_body(%arg0: i32, %arg1: memref<512x1280xf32, #tpu.memory_space<vmem>>, %arg2: memref<1280x512xf32, #tpu.memory_space<vmem>>, %arg3: memref<512x1xf32, #tpu.memory_space<vmem>>, %arg4: memref<512x512xf32, #tpu.memory_space<vmem>>, %arg5: memref<2x512x2x128xbf16, #tpu.memory_space<vmem>>) attributes {dimension_semantics = [#tpu.dimension_semantics<arbitrary>], iteration_bounds = array<i64: 20>, scalar_prefetch = 0 : i64, scratch_operands = 0 : i64, tpu.core_type = #tpu.core_type<tc>, window_params = [{transform_indices = @transform_0, window_bounds = array<i64: 512, 1280>}, {pipeline_mode = #tpu.pipeline_mode<synchronous>, transform_indices = @transform_1, window_bounds = array<i64: 1280, 512>}, {transform_indices = @transform_2, window_bounds = array<i64: 512, 1>}, {transform_indices = @transform_3, window_bounds = array<i64: 512, 512>}, {transform_indices = @transform_4, window_bounds = array<i64: 2, 512, 2, 128>}]} {
    %get3A = arith.constant 0 : index
    %get3A_0 = arith.constant 0 : index
    %get3A_1 = vector.load %arg1[%get3A, %get3A_0] : memref<512x1280xf32, #tpu.memory_space<vmem>>, vector<512x1280xf32>
    %get3A_2 = arith.constant 0 : index
    %get3A_3 = arith.constant 0 : index
    %get3A_4 = vector.load %arg2[%get3A_2, %get3A_3] : memref<1280x512xf32, #tpu.memory_space<vmem>>, vector<1280x512xf32>
    %dot_general3A = arith.constant dense<0.000000e+00> : vector<512x512xf32>
    %dot_general3A_5 = tpu.matmul %get3A_1, %get3A_4, %dot_general3A {dimension_numbers = #tpu.dot_dimension_numbers<[1], [0], [0], [1], [0, 0, 1, 1], [], []>, transpose_lhs_hint = false} : vector<512x1280xf32>, vector<1280x512xf32>, vector<512x512xf32> -> vector<512x512xf32>
    %get3A_6 = arith.constant 0 : index
    %get3A_7 = arith.constant 0 : index
    %get3A_8 = vector.load %arg3[%get3A_6, %get3A_7] : memref<512x1xf32, #tpu.memory_space<vmem>>, vector<512x1xf32>
    %mul3A = vector.broadcast %get3A_8 : vector<512x1xf32> to vector<512x512xf32>
    %mul3A_9 = arith.mulf %dot_general3A_5, %mul3A : vector<512x512xf32>
    %swap3A = arith.constant 0 : index
    %swap3A_10 = arith.constant 0 : index
    %swap3A_11 = vector.load %arg4[%swap3A, %swap3A_10] : memref<512x512xf32, #tpu.memory_space<vmem>>, vector<512x512xf32>
    tpu.vector_store %arg4[%swap3A, %swap3A_10], %mul3A_9 {strides = array<i32>} : memref<512x512xf32, #tpu.memory_space<vmem>>, vector<512x512xf32>,
    %convert_element_type3A = arith.truncf %mul3A_9 : vector<512x512xf32> to vector<512x512xbf16>
    %slice3A = vector.extract_strided_slice %convert_element_type3A {offsets = [0, 0], sizes = [512, 128], strides = [1, 1]} : vector<512x512xbf16> to vector<512x128xbf16>
    %swap3A_12 = arith.constant 0 : index
    %swap3A_13 = arith.constant 0 : index
    %swap3A_14 = arith.constant 0 : index
    %swap3A_15 = arith.constant 0 : index
    %swap3A_16 = vector.load %arg5[%swap3A_12, %swap3A_13, %swap3A_14, %swap3A_15] : memref<2x512x2x128xbf16, #tpu.memory_space<vmem>>, vector<1x512x1x128xbf16>
    %swap3A_17 = vector.shape_cast %swap3A_16 : vector<1x512x1x128xbf16> to vector<512x128xbf16>
    %swap3A_18 = vector.shape_cast %slice3A : vector<512x128xbf16> to vector<1x512x1x128xbf16>
    tpu.vector_store %arg5[%swap3A_12, %swap3A_13, %swap3A_14, %swap3A_15], %swap3A_18 {strides = array<i32>} : memref<2x512x2x128xbf16, #tpu.memory_space<vmem>>, vector<1x512x1x128xbf16>,
    %slice3A_19 = vector.extract_strided_slice %convert_element_type3A {offsets = [0, 128], sizes = [512, 128], strides = [1, 1]} : vector<512x512xbf16> to vector<512x128xbf16>
    %swap3A_20 = arith.constant 0 : index
    %swap3A_21 = arith.constant 0 : index
    %swap3A_22 = arith.constant 1 : index
    %swap3A_23 = arith.constant 0 : index
    %swap3A_24 = vector.load %arg5[%swap3A_20, %swap3A_21, %swap3A_22, %swap3A_23] : memref<2x512x2x128xbf16, #tpu.memory_space<vmem>>, vector<1x512x1x128xbf16>
    %swap3A_25 = vector.shape_cast %swap3A_24 : vector<1x512x1x128xbf16> to vector<512x128xbf16>
    %swap3A_26 = vector.shape_cast %slice3A_19 : vector<512x128xbf16> to vector<1x512x1x128xbf16>
    tpu.vector_store %arg5[%swap3A_20, %swap3A_21, %swap3A_22, %swap3A_23], %swap3A_26 {strides = array<i32>} : memref<2x512x2x128xbf16, #tpu.memory_space<vmem>>, vector<1x512x1x128xbf16>,
    %slice3A_27 = vector.extract_strided_slice %convert_element_type3A {offsets = [0, 256], sizes = [512, 128], strides = [1, 1]} : vector<512x512xbf16> to vector<512x128xbf16>
    %swap3A_28 = arith.constant 1 : index
    %swap3A_29 = arith.constant 0 : index
    %swap3A_30 = arith.constant 0 : index
    %swap3A_31 = arith.constant 0 : index
    %swap3A_32 = vector.load %arg5[%swap3A_28, %swap3A_29, %swap3A_30, %swap3A_31] : memref<2x512x2x128xbf16, #tpu.memory_space<vmem>>, vector<1x512x1x128xbf16>
    %swap3A_33 = vector.shape_cast %swap3A_32 : vector<1x512x1x128xbf16> to vector<512x128xbf16>
    %swap3A_34 = vector.shape_cast %slice3A_27 : vector<512x128xbf16> to vector<1x512x1x128xbf16>
    tpu.vector_store %arg5[%swap3A_28, %swap3A_29, %swap3A_30, %swap3A_31], %swap3A_34 {strides = array<i32>} : memref<2x512x2x128xbf16, #tpu.memory_space<vmem>>, vector<1x512x1x128xbf16>,
    %slice3A_35 = vector.extract_strided_slice %convert_element_type3A {offsets = [0, 384], sizes = [512, 128], strides = [1, 1]} : vector<512x512xbf16> to vector<512x128xbf16>
    %swap3A_36 = arith.constant 1 : index
    %swap3A_37 = arith.constant 0 : index
    %swap3A_38 = arith.constant 1 : index
    %swap3A_39 = arith.constant 0 : index
    %swap3A_40 = vector.load %arg5[%swap3A_36, %swap3A_37, %swap3A_38, %swap3A_39] : memref<2x512x2x128xbf16, #tpu.memory_space<vmem>>, vector<1x512x1x128xbf16>
    %swap3A_41 = vector.shape_cast %swap3A_40 : vector<1x512x1x128xbf16> to vector<512x128xbf16>
    %swap3A_42 = vector.shape_cast %slice3A_35 : vector<512x128xbf16> to vector<1x512x1x128xbf16>
    tpu.vector_store %arg5[%swap3A_36, %swap3A_37, %swap3A_38, %swap3A_39], %swap3A_42 {strides = array<i32>} : memref<2x512x2x128xbf16, #tpu.memory_space<vmem>>, vector<1x512x1x128xbf16>,
    return
  }
  func.func @transform_0(%arg0: i32) -> (i32, i32) {
    %c0_i32 = arith.constant 0 : i32
    %c0_i32_0 = arith.constant 0 : i32
    return %arg0, %c0_i32 : i32, i32
  }
  func.func @transform_1(%arg0: i32) -> (i32, i32) {
    %c0_i32 = arith.constant 0 : i32
    %c0_i32_0 = arith.constant 0 : i32
    %c0_i32_1 = arith.constant 0 : i32
    return %c0_i32, %c0_i32_0 : i32, i32
  }
  func.func @transform_2(%arg0: i32) -> (i32, i32) {
    %c0_i32 = arith.constant 0 : i32
    %c0_i32_0 = arith.constant 0 : i32
    return %arg0, %c0_i32 : i32, i32
  }
  func.func @transform_3(%arg0: i32) -> (i32, i32) {
    %c0_i32 = arith.constant 0 : i32
    %c0_i32_0 = arith.constant 0 : i32
    return %arg0, %c0_i32 : i32, i32
  }
  func.func @transform_4(%arg0: i32) -> (i32, i32, i32, i32) {
    %c0_i32 = arith.constant 0 : i32
    %c0_i32_0 = arith.constant 0 : i32
    %c0_i32_1 = arith.constant 0 : i32
    %c0_i32_2 = arith.constant 0 : i32
    return %c0_i32, %arg0, %c0_i32_0, %c0_i32_1 : i32, i32, i32, i32
  }
}

module attributes {stable_mosaic.version = 14 : i64} {
  func.func @_mm1b_body(%arg0: i32, %arg1: memref<512x1280xf32, #tpu.memory_space<vmem>>, %arg2: memref<1280x512xf32, #tpu.memory_space<vmem>>, %arg3: memref<512x512xf32, #tpu.memory_space<vmem>>) attributes {dimension_semantics = [#tpu.dimension_semantics<arbitrary>], iteration_bounds = array<i64: 20>, scalar_prefetch = 0 : i64, scratch_operands = 0 : i64, tpu.core_type = #tpu.core_type<tc>, window_params = [{transform_indices = @transform_0, window_bounds = array<i64: 512, 1280>}, {pipeline_mode = #tpu.pipeline_mode<synchronous>, transform_indices = @transform_1, window_bounds = array<i64: 1280, 512>}, {transform_indices = @transform_2, window_bounds = array<i64: 512, 512>}]} {
    %get3A = arith.constant 0 : index
    %get3A_0 = arith.constant 0 : index
    %get3A_1 = vector.load %arg1[%get3A, %get3A_0] : memref<512x1280xf32, #tpu.memory_space<vmem>>, vector<512x1280xf32>
    %get3A_2 = arith.constant 0 : index
    %get3A_3 = arith.constant 0 : index
    %get3A_4 = vector.load %arg2[%get3A_2, %get3A_3] : memref<1280x512xf32, #tpu.memory_space<vmem>>, vector<1280x512xf32>
    %dot_general3A = arith.constant dense<0.000000e+00> : vector<512x512xf32>
    %dot_general3A_5 = tpu.matmul %get3A_1, %get3A_4, %dot_general3A {dimension_numbers = #tpu.dot_dimension_numbers<[1], [0], [0], [1], [0, 0, 1, 1], [], []>, transpose_lhs_hint = false} : vector<512x1280xf32>, vector<1280x512xf32>, vector<512x512xf32> -> vector<512x512xf32>
    %swap3A = arith.constant 0 : index
    %swap3A_6 = arith.constant 0 : index
    %swap3A_7 = vector.load %arg3[%swap3A, %swap3A_6] : memref<512x512xf32, #tpu.memory_space<vmem>>, vector<512x512xf32>
    tpu.vector_store %arg3[%swap3A, %swap3A_6], %dot_general3A_5 {strides = array<i32>} : memref<512x512xf32, #tpu.memory_space<vmem>>, vector<512x512xf32>,
    return
  }
  func.func @transform_0(%arg0: i32) -> (i32, i32) {
    %c0_i32 = arith.constant 0 : i32
    %c0_i32_0 = arith.constant 0 : i32
    return %arg0, %c0_i32 : i32, i32
  }
  func.func @transform_1(%arg0: i32) -> (i32, i32) {
    %c0_i32 = arith.constant 0 : i32
    %c0_i32_0 = arith.constant 0 : i32
    %c0_i32_1 = arith.constant 0 : i32
    return %c0_i32, %c0_i32_0 : i32, i32
  }
  func.func @transform_2(%arg0: i32) -> (i32, i32) {
    %c0_i32 = arith.constant 0 : i32
    %c0_i32_0 = arith.constant 0 : i32
    return %arg0, %c0_i32 : i32, i32
  }
}

module attributes {stable_mosaic.version = 14 : i64} {
  func.func @_mm2_body(%arg0: i32, %arg1: memref<2x512x2x128xbf16, #tpu.memory_space<vmem>>, %arg2: memref<512x512xf32, #tpu.memory_space<vmem>>, %arg3: memref<512x1xf32, #tpu.memory_space<vmem>>, %arg4: memref<512x512xf32, #tpu.memory_space<vmem>>, %arg5: memref<512x512xf32, #tpu.memory_space<vmem>>, %arg6: memref<1x512xf32, #tpu.memory_space<vmem>>, %arg7: memref<1x512xf32, #tpu.memory_space<vmem>>, %arg8: memref<1x512xf32, #tpu.memory_space<vmem>>, %arg9: memref<512x512xf32, #tpu.memory_space<vmem>>, %arg10: memref<2x512x2x128xbf16, #tpu.memory_space<vmem>>, %arg11: memref<512x512xf32, #tpu.memory_space<vmem>>) attributes {dimension_semantics = [#tpu.dimension_semantics<arbitrary>], iteration_bounds = array<i64: 20>, scalar_prefetch = 0 : i64, scratch_operands = 0 : i64, tpu.core_type = #tpu.core_type<tc>, window_params = [{transform_indices = @transform_0, window_bounds = array<i64: 2, 512, 2, 128>}, {transform_indices = @transform_1, window_bounds = array<i64: 512, 512>}, {transform_indices = @transform_2, window_bounds = array<i64: 512, 1>}, {pipeline_mode = #tpu.pipeline_mode<synchronous>, transform_indices = @transform_3, window_bounds = array<i64: 512, 512>}, {transform_indices = @transform_4, window_bounds = array<i64: 512, 512>}, {pipeline_mode = #tpu.pipeline_mode<synchronous>, transform_indices = @transform_5, window_bounds = array<i64: 1, 512>}, {pipeline_mode = #tpu.pipeline_mode<synchronous>, transform_indices = @transform_6, window_bounds = array<i64: 1, 512>}, {pipeline_mode = #tpu.pipeline_mode<synchronous>, transform_indices = @transform_7, window_bounds = array<i64: 1, 512>}, {transform_indices = @transform_8, window_bounds = array<i64: 512, 512>}, {transform_indices = @transform_9, window_bounds = array<i64: 2, 512, 2, 128>}, {transform_indices = @transform_10, window_bounds = array<i64: 512, 512>}]} {
    %get3A = arith.constant 0 : index
    %get3A_0 = arith.constant 0 : index
    %get3A_1 = arith.constant 0 : index
    %get3A_2 = arith.constant 0 : index
    %get3A_3 = vector.load %arg1[%get3A, %get3A_0, %get3A_1, %get3A_2] : memref<2x512x2x128xbf16, #tpu.memory_space<vmem>>, vector<1x512x1x128xbf16>
    %get3A_4 = vector.shape_cast %get3A_3 : vector<1x512x1x128xbf16> to vector<512x128xbf16>
    %convert_element_type3A = arith.extf %get3A_4 : vector<512x128xbf16> to vector<512x128xf32>
    %get3A_5 = arith.constant 0 : index
    %get3A_6 = arith.constant 0 : index
    %get3A_7 = arith.constant 1 : index
    %get3A_8 = arith.constant 0 : index
    %get3A_9 = vector.load %arg1[%get3A_5, %get3A_6, %get3A_7, %get3A_8] : memref<2x512x2x128xbf16, #tpu.memory_space<vmem>>, vector<1x512x1x128xbf16>
    %get3A_10 = vector.shape_cast %get3A_9 : vector<1x512x1x128xbf16> to vector<512x128xbf16>
    %convert_element_type3A_11 = arith.extf %get3A_10 : vector<512x128xbf16> to vector<512x128xf32>
    %get3A_12 = arith.constant 1 : index
    %get3A_13 = arith.constant 0 : index
    %get3A_14 = arith.constant 0 : index
    %get3A_15 = arith.constant 0 : index
    %get3A_16 = vector.load %arg1[%get3A_12, %get3A_13, %get3A_14, %get3A_15] : memref<2x512x2x128xbf16, #tpu.memory_space<vmem>>, vector<1x512x1x128xbf16>
    %get3A_17 = vector.shape_cast %get3A_16 : vector<1x512x1x128xbf16> to vector<512x128xbf16>
    %convert_element_type3A_18 = arith.extf %get3A_17 : vector<512x128xbf16> to vector<512x128xf32>
    %get3A_19 = arith.constant 1 : index
    %get3A_20 = arith.constant 0 : index
    %get3A_21 = arith.constant 1 : index
    %get3A_22 = arith.constant 0 : index
    %get3A_23 = vector.load %arg1[%get3A_19, %get3A_20, %get3A_21, %get3A_22] : memref<2x512x2x128xbf16, #tpu.memory_space<vmem>>, vector<1x512x1x128xbf16>
    %get3A_24 = vector.shape_cast %get3A_23 : vector<1x512x1x128xbf16> to vector<512x128xbf16>
    %convert_element_type3A_25 = arith.extf %get3A_24 : vector<512x128xbf16> to vector<512x128xf32>
    %concatenate3A = tpu.concatenate %convert_element_type3A, %convert_element_type3A_11, %convert_element_type3A_18, %convert_element_type3A_25 in 1 : vector<512x128xf32>, vector<512x128xf32>, vector<512x128xf32>, vector<512x128xf32> -> vector<512x512xf32>
    %get3A_26 = arith.constant 0 : index
    %get3A_27 = arith.constant 0 : index
    %get3A_28 = vector.load %arg2[%get3A_26, %get3A_27] : memref<512x512xf32, #tpu.memory_space<vmem>>, vector<512x512xf32>
    %add3A = arith.addf %concatenate3A, %get3A_28 : vector<512x512xf32>
    %get3A_29 = arith.constant 0 : index
    %get3A_30 = arith.constant 0 : index
    %get3A_31 = vector.load %arg3[%get3A_29, %get3A_30] : memref<512x1xf32, #tpu.memory_space<vmem>>, vector<512x1xf32>
    %mul3A = vector.broadcast %get3A_31 : vector<512x1xf32> to vector<512x512xf32>
    %mul3A_32 = arith.mulf %add3A, %mul3A : vector<512x512xf32>
    %get3A_33 = arith.constant 0 : index
    %get3A_34 = arith.constant 0 : index
    %get3A_35 = vector.load %arg6[%get3A_33, %get3A_34] : memref<1x512xf32, #tpu.memory_space<vmem>>, vector<1x512xf32>
    %add3A_36 = vector.broadcast %get3A_35 : vector<1x512xf32> to vector<512x512xf32>
    %add3A_37 = arith.addf %mul3A_32, %add3A_36 : vector<512x512xf32>
    %get3A_38 = arith.constant 0 : index
    %get3A_39 = arith.constant 0 : index
    %get3A_40 = vector.load %arg7[%get3A_38, %get3A_39] : memref<1x512xf32, #tpu.memory_space<vmem>>, vector<1x512xf32>
    %rsqrt3A = arith.constant 1.000010e+00 : f32
    %rsqrt3A_41 = math.rsqrt %rsqrt3A : f32
    %mul3A_42 = vector.broadcast %rsqrt3A_41 : f32 to vector<1x512xf32>
    %mul3A_43 = arith.mulf %get3A_40, %mul3A_42 : vector<1x512xf32>
    %max3A = arith.constant 0.000000e+00 : f32
    %max3A_44 = vector.broadcast %max3A : f32 to vector<512x512xf32>
    %max3A_45 = arith.maximumf %add3A_37, %max3A_44 : vector<512x512xf32>
    %mul3A_46 = vector.broadcast %mul3A_43 : vector<1x512xf32> to vector<512x512xf32>
    %mul3A_47 = arith.mulf %max3A_45, %mul3A_46 : vector<512x512xf32>
    %get3A_48 = arith.constant 0 : index
    %get3A_49 = arith.constant 0 : index
    %get3A_50 = vector.load %arg8[%get3A_48, %get3A_49] : memref<1x512xf32, #tpu.memory_space<vmem>>, vector<1x512xf32>
    %add3A_51 = vector.broadcast %get3A_50 : vector<1x512xf32> to vector<512x512xf32>
    %add3A_52 = arith.addf %mul3A_47, %add3A_51 : vector<512x512xf32>
    %swap3A = arith.constant 0 : index
    %swap3A_53 = arith.constant 0 : index
    %swap3A_54 = vector.load %arg11[%swap3A, %swap3A_53] : memref<512x512xf32, #tpu.memory_space<vmem>>, vector<512x512xf32>
    tpu.vector_store %arg11[%swap3A, %swap3A_53], %add3A_52 {strides = array<i32>} : memref<512x512xf32, #tpu.memory_space<vmem>>, vector<512x512xf32>,
    %get3A_55 = arith.constant 0 : index
    %get3A_56 = arith.constant 0 : index
    %get3A_57 = vector.load %arg4[%get3A_55, %get3A_56] : memref<512x512xf32, #tpu.memory_space<vmem>>, vector<512x512xf32>
    %dot_general3A = arith.constant dense<0.000000e+00> : vector<512x512xf32>
    %dot_general3A_58 = tpu.matmul %add3A_52, %get3A_57, %dot_general3A {dimension_numbers = #tpu.dot_dimension_numbers<[1], [0], [0], [1], [0, 0, 1, 1], [], []>, transpose_lhs_hint = false} : vector<512x512xf32>, vector<512x512xf32>, vector<512x512xf32> -> vector<512x512xf32>
    %get3A_59 = arith.constant 0 : index
    %get3A_60 = arith.constant 0 : index
    %get3A_61 = vector.load %arg5[%get3A_59, %get3A_60] : memref<512x512xf32, #tpu.memory_space<vmem>>, vector<512x512xf32>
    %add3A_62 = arith.addf %dot_general3A_58, %get3A_61 : vector<512x512xf32>
    %get3A_63 = arith.constant 0 : index
    %get3A_64 = arith.constant 0 : index
    %get3A_65 = vector.load %arg3[%get3A_63, %get3A_64] : memref<512x1xf32, #tpu.memory_space<vmem>>, vector<512x1xf32>
    %mul3A_66 = vector.broadcast %get3A_65 : vector<512x1xf32> to vector<512x512xf32>
    %mul3A_67 = arith.mulf %add3A_62, %mul3A_66 : vector<512x512xf32>
    %swap3A_68 = arith.constant 0 : index
    %swap3A_69 = arith.constant 0 : index
    %swap3A_70 = vector.load %arg9[%swap3A_68, %swap3A_69] : memref<512x512xf32, #tpu.memory_space<vmem>>, vector<512x512xf32>
    tpu.vector_store %arg9[%swap3A_68, %swap3A_69], %mul3A_67 {strides = array<i32>} : memref<512x512xf32, #tpu.memory_space<vmem>>, vector<512x512xf32>,
    %convert_element_type3A_71 = arith.truncf %mul3A_67 : vector<512x512xf32> to vector<512x512xbf16>
    %slice3A = vector.extract_strided_slice %convert_element_type3A_71 {offsets = [0, 0], sizes = [512, 128], strides = [1, 1]} : vector<512x512xbf16> to vector<512x128xbf16>
    %swap3A_72 = arith.constant 0 : index
    %swap3A_73 = arith.constant 0 : index
    %swap3A_74 = arith.constant 0 : index
    %swap3A_75 = arith.constant 0 : index
    %swap3A_76 = vector.load %arg10[%swap3A_72, %swap3A_73, %swap3A_74, %swap3A_75] : memref<2x512x2x128xbf16, #tpu.memory_space<vmem>>, vector<1x512x1x128xbf16>
    %swap3A_77 = vector.shape_cast %swap3A_76 : vector<1x512x1x128xbf16> to vector<512x128xbf16>
    %swap3A_78 = vector.shape_cast %slice3A : vector<512x128xbf16> to vector<1x512x1x128xbf16>
    tpu.vector_store %arg10[%swap3A_72, %swap3A_73, %swap3A_74, %swap3A_75], %swap3A_78 {strides = array<i32>} : memref<2x512x2x128xbf16, #tpu.memory_space<vmem>>, vector<1x512x1x128xbf16>,
    %slice3A_79 = vector.extract_strided_slice %convert_element_type3A_71 {offsets = [0, 128], sizes = [512, 128], strides = [1, 1]} : vector<512x512xbf16> to vector<512x128xbf16>
    %swap3A_80 = arith.constant 0 : index
    %swap3A_81 = arith.constant 0 : index
    %swap3A_82 = arith.constant 1 : index
    %swap3A_83 = arith.constant 0 : index
    %swap3A_84 = vector.load %arg10[%swap3A_80, %swap3A_81, %swap3A_82, %swap3A_83] : memref<2x512x2x128xbf16, #tpu.memory_space<vmem>>, vector<1x512x1x128xbf16>
    %swap3A_85 = vector.shape_cast %swap3A_84 : vector<1x512x1x128xbf16> to vector<512x128xbf16>
    %swap3A_86 = vector.shape_cast %slice3A_79 : vector<512x128xbf16> to vector<1x512x1x128xbf16>
    tpu.vector_store %arg10[%swap3A_80, %swap3A_81, %swap3A_82, %swap3A_83], %swap3A_86 {strides = array<i32>} : memref<2x512x2x128xbf16, #tpu.memory_space<vmem>>, vector<1x512x1x128xbf16>,
    %slice3A_87 = vector.extract_strided_slice %convert_element_type3A_71 {offsets = [0, 256], sizes = [512, 128], strides = [1, 1]} : vector<512x512xbf16> to vector<512x128xbf16>
    %swap3A_88 = arith.constant 1 : index
    %swap3A_89 = arith.constant 0 : index
    %swap3A_90 = arith.constant 0 : index
    %swap3A_91 = arith.constant 0 : index
    %swap3A_92 = vector.load %arg10[%swap3A_88, %swap3A_89, %swap3A_90, %swap3A_91] : memref<2x512x2x128xbf16, #tpu.memory_space<vmem>>, vector<1x512x1x128xbf16>
    %swap3A_93 = vector.shape_cast %swap3A_92 : vector<1x512x1x128xbf16> to vector<512x128xbf16>
    %swap3A_94 = vector.shape_cast %slice3A_87 : vector<512x128xbf16> to vector<1x512x1x128xbf16>
    tpu.vector_store %arg10[%swap3A_88, %swap3A_89, %swap3A_90, %swap3A_91], %swap3A_94 {strides = array<i32>} : memref<2x512x2x128xbf16, #tpu.memory_space<vmem>>, vector<1x512x1x128xbf16>,
    %slice3A_95 = vector.extract_strided_slice %convert_element_type3A_71 {offsets = [0, 384], sizes = [512, 128], strides = [1, 1]} : vector<512x512xbf16> to vector<512x128xbf16>
    %swap3A_96 = arith.constant 1 : index
    %swap3A_97 = arith.constant 0 : index
    %swap3A_98 = arith.constant 1 : index
    %swap3A_99 = arith.constant 0 : index
    %swap3A_100 = vector.load %arg10[%swap3A_96, %swap3A_97, %swap3A_98, %swap3A_99] : memref<2x512x2x128xbf16, #tpu.memory_space<vmem>>, vector<1x512x1x128xbf16>
    %swap3A_101 = vector.shape_cast %swap3A_100 : vector<1x512x1x128xbf16> to vector<512x128xbf16>
    %swap3A_102 = vector.shape_cast %slice3A_95 : vector<512x128xbf16> to vector<1x512x1x128xbf16>
    tpu.vector_store %arg10[%swap3A_96, %swap3A_97, %swap3A_98, %swap3A_99], %swap3A_102 {strides = array<i32>} : memref<2x512x2x128xbf16, #tpu.memory_space<vmem>>, vector<1x512x1x128xbf16>,
    return
  }
  func.func @transform_0(%arg0: i32) -> (i32, i32, i32, i32) {
    %c0_i32 = arith.constant 0 : i32
    %c0_i32_0 = arith.constant 0 : i32
    %c0_i32_1 = arith.constant 0 : i32
    %c0_i32_2 = arith.constant 0 : i32
    return %c0_i32, %arg0, %c0_i32_0, %c0_i32_1 : i32, i32, i32, i32
  }
  func.func @transform_1(%arg0: i32) -> (i32, i32) {
    %c0_i32 = arith.constant 0 : i32
    %c0_i32_0 = arith.constant 0 : i32
    return %arg0, %c0_i32 : i32, i32
  }
  func.func @transform_2(%arg0: i32) -> (i32, i32) {
    %c0_i32 = arith.constant 0 : i32
    %c0_i32_0 = arith.constant 0 : i32
    return %arg0, %c0_i32 : i32, i32
  }
  func.func @transform_3(%arg0: i32) -> (i32, i32) {
    %c0_i32 = arith.constant 0 : i32
    %c0_i32_0 = arith.constant 0 : i32
    %c0_i32_1 = arith.constant 0 : i32
    return %c0_i32, %c0_i32_0 : i32, i32
  }
  func.func @transform_4(%arg0: i32) -> (i32, i32) {
    %c0_i32 = arith.constant 0 : i32
    %c0_i32_0 = arith.constant 0 : i32
    return %arg0, %c0_i32 : i32, i32
  }
  func.func @transform_5(%arg0: i32) -> (i32, i32) {
    %c0_i32 = arith.constant 0 : i32
    %c0_i32_0 = arith.constant 0 : i32
    %c0_i32_1 = arith.constant 0 : i32
    return %c0_i32, %c0_i32_0 : i32, i32
  }
  func.func @transform_6(%arg0: i32) -> (i32, i32) {
    %c0_i32 = arith.constant 0 : i32
    %c0_i32_0 = arith.constant 0 : i32
    %c0_i32_1 = arith.constant 0 : i32
    return %c0_i32, %c0_i32_0 : i32, i32
  }
  func.func @transform_7(%arg0: i32) -> (i32, i32) {
    %c0_i32 = arith.constant 0 : i32
    %c0_i32_0 = arith.constant 0 : i32
    %c0_i32_1 = arith.constant 0 : i32
    return %c0_i32, %c0_i32_0 : i32, i32
  }
  func.func @transform_8(%arg0: i32) -> (i32, i32) {
    %c0_i32 = arith.constant 0 : i32
    %c0_i32_0 = arith.constant 0 : i32
    return %arg0, %c0_i32 : i32, i32
  }
  func.func @transform_9(%arg0: i32) -> (i32, i32, i32, i32) {
    %c0_i32 = arith.constant 0 : i32
    %c0_i32_0 = arith.constant 0 : i32
    %c0_i32_1 = arith.constant 0 : i32
    %c0_i32_2 = arith.constant 0 : i32
    return %c0_i32, %arg0, %c0_i32_0, %c0_i32_1 : i32, i32, i32, i32
  }
  func.func @transform_10(%arg0: i32) -> (i32, i32) {
    %c0_i32 = arith.constant 0 : i32
    %c0_i32_0 = arith.constant 0 : i32
    return %arg0, %c0_i32 : i32, i32
  }
}

module attributes {stable_mosaic.version = 14 : i64} {
  func.func @_seg_res_body(%arg0: i32, %arg1: memref<512x1280xf32, #tpu.memory_space<vmem>>, %arg2: memref<1x512xi32, #tpu.memory_space<vmem>>, %arg3: memref<64x1280xf32, #tpu.memory_space<vmem>>) attributes {dimension_semantics = [#tpu.dimension_semantics<arbitrary>], iteration_bounds = array<i64: 20>, scalar_prefetch = 0 : i64, scratch_operands = 0 : i64, tpu.core_type = #tpu.core_type<tc>, window_params = [{transform_indices = @transform_0, window_bounds = array<i64: 512, 1280>}, {transform_indices = @transform_1, window_bounds = array<i64: 1, 512>}, {pipeline_mode = #tpu.pipeline_mode<synchronous>, transform_indices = @transform_2, window_bounds = array<i64: 64, 1280>}]} {
    %iota3A = tpu.iota {dimensions = array<i32: 0>} : vector<512x1xi32>
    %mul3A = arith.constant 512 : i32
    %mul3A_0 = arith.muli %arg0, %mul3A : i32
    %add3A = vector.broadcast %mul3A_0 : i32 to vector<512x1xi32>
    %add3A_1 = arith.addi %iota3A, %add3A : vector<512x1xi32>
    %lt3A = arith.constant 10000 : i32
    %lt3A_2 = vector.broadcast %lt3A : i32 to vector<512x1xi32>
    %lt3A_3 = arith.cmpi slt, %add3A_1, %lt3A_2 : vector<512x1xi32>
    %get3A = arith.constant 0 : index
    %get3A_4 = arith.constant 0 : index
    %get3A_5 = vector.load %arg1[%get3A, %get3A_4] : memref<512x1280xf32, #tpu.memory_space<vmem>>, vector<512x1280xf32>
    %jit3A = arith.constant 0.000000e+00 : f32
    %broadcast_in_dim3A = vector.shape_cast %lt3A_3 : vector<512x1xi1> to vector<512x1xi1>
    %broadcast_in_dim3A_6 = vector.broadcast %broadcast_in_dim3A : vector<512x1xi1> to vector<512x1280xi1>
    %broadcast_in_dim3A_7 = vector.broadcast %jit3A : f32 to vector<512x1280xf32>
    %select_n3A = arith.select %broadcast_in_dim3A_6, %get3A_5, %broadcast_in_dim3A_7 : vector<512x1280xi1>, vector<512x1280xf32>
    %iota3A_8 = tpu.iota {dimensions = array<i32: 1>} : vector<1x512xi32>
    %mul3A_9 = arith.constant 512 : i32
    %mul3A_10 = arith.muli %arg0, %mul3A_9 : i32
    %add3A_11 = vector.broadcast %mul3A_10 : i32 to vector<1x512xi32>
    %add3A_12 = arith.addi %iota3A_8, %add3A_11 : vector<1x512xi32>
    %lt3A_13 = arith.constant 10000 : i32
    %lt3A_14 = vector.broadcast %lt3A_13 : i32 to vector<1x512xi32>
    %lt3A_15 = arith.cmpi slt, %add3A_12, %lt3A_14 : vector<1x512xi32>
    %get3A_16 = arith.constant 0 : index
    %get3A_17 = arith.constant 0 : index
    %get3A_18 = vector.load %arg2[%get3A_16, %get3A_17] : memref<1x512xi32, #tpu.memory_space<vmem>>, vector<1x512xi32>
    %iota3A_19 = tpu.iota {dimensions = array<i32: 0>} : vector<64x512xi32>
    %eq3A = vector.broadcast %get3A_18 : vector<1x512xi32> to vector<64x512xi32>
    %eq3A_20 = arith.cmpi eq, %eq3A, %iota3A_19 : vector<64x512xi32>
    %and3A = vector.broadcast %lt3A_15 : vector<1x512xi1> to vector<64x512xi1>
    %and3A_21 = arith.andi %eq3A_20, %and3A : vector<64x512xi1>
    %convert_element_type3A = arith.extui %and3A_21 : vector<64x512xi1> to vector<64x512xi32>
    %convert_element_type3A_22 = arith.sitofp %convert_element_type3A : vector<64x512xi32> to vector<64x512xf32>
    %eq3A_23 = arith.constant 0 : i32
    %eq3A_24 = arith.cmpi eq, %arg0, %eq3A_23 : i32
    %convert_element_type3A_25 = arith.extui %eq3A_24 : i1 to i32
    %cond3A = arith.constant 0 : i32
    %cond3A_26 = arith.cmpi ne, %convert_element_type3A_25, %cond3A : i32
    scf.if %cond3A_26 {
      %broadcast_in_dim3A_34 = arith.constant 0.000000e+00 : f32
      %broadcast_in_dim3A_35 = vector.broadcast %broadcast_in_dim3A_34 : f32 to vector<64x1280xf32>
      %swap3A_36 = arith.constant 0 : index
      %swap3A_37 = arith.constant 0 : index
      %swap3A_38 = vector.load %arg3[%swap3A_36, %swap3A_37] : memref<64x1280xf32, #tpu.memory_space<vmem>>, vector<64x1280xf32>
      tpu.vector_store %arg3[%swap3A_36, %swap3A_37], %broadcast_in_dim3A_35 {strides = array<i32>} : memref<64x1280xf32, #tpu.memory_space<vmem>>, vector<64x1280xf32>,
    } else {
    }
    %get3A_27 = arith.constant 0 : index
    %get3A_28 = arith.constant 0 : index
    %get3A_29 = vector.load %arg3[%get3A_27, %get3A_28] : memref<64x1280xf32, #tpu.memory_space<vmem>>, vector<64x1280xf32>
    %dot_general3A = arith.constant dense<0.000000e+00> : vector<64x1280xf32>
    %dot_general3A_30 = tpu.matmul %convert_element_type3A_22, %select_n3A, %dot_general3A {dimension_numbers = #tpu.dot_dimension_numbers<[1], [0], [0], [1], [0, 0, 1, 1], [], []>, transpose_lhs_hint = false} : vector<64x512xf32>, vector<512x1280xf32>, vector<64x1280xf32> -> vector<64x1280xf32>
    %add3A_31 = arith.addf %get3A_29, %dot_general3A_30 : vector<64x1280xf32>
    %swap3A = arith.constant 0 : index
    %swap3A_32 = arith.constant 0 : index
    %swap3A_33 = vector.load %arg3[%swap3A, %swap3A_32] : memref<64x1280xf32, #tpu.memory_space<vmem>>, vector<64x1280xf32>
    tpu.vector_store %arg3[%swap3A, %swap3A_32], %add3A_31 {strides = array<i32>} : memref<64x1280xf32, #tpu.memory_space<vmem>>, vector<64x1280xf32>,
    return
  }
  func.func @transform_0(%arg0: i32) -> (i32, i32) {
    %c0_i32 = arith.constant 0 : i32
    %c0_i32_0 = arith.constant 0 : i32
    return %arg0, %c0_i32 : i32, i32
  }
  func.func @transform_1(%arg0: i32) -> (i32, i32) {
    %c0_i32 = arith.constant 0 : i32
    %c0_i32_0 = arith.constant 0 : i32
    return %c0_i32, %arg0 : i32, i32
  }
  func.func @transform_2(%arg0: i32) -> (i32, i32) {
    %c0_i32 = arith.constant 0 : i32
    %c0_i32_0 = arith.constant 0 : i32
    %c0_i32_1 = arith.constant 0 : i32
    return %c0_i32, %c0_i32_0 : i32, i32
  }
}

module attributes {stable_mosaic.version = 14 : i64} {
  func.func @_fc1y_body(%arg0: i32, %arg1: memref<64x1280xf32, #tpu.memory_space<vmem>>, %arg2: memref<1280x512xf32, #tpu.memory_space<vmem>>, %arg3: memref<1x512xf32, #tpu.memory_space<vmem>>, %arg4: memref<64x512xf32, #tpu.memory_space<vmem>>) attributes {dimension_semantics = [#tpu.dimension_semantics<arbitrary>], iteration_bounds = array<i64: 7>, scalar_prefetch = 0 : i64, scratch_operands = 0 : i64, tpu.core_type = #tpu.core_type<tc>, window_params = [{pipeline_mode = #tpu.pipeline_mode<synchronous>, transform_indices = @transform_0, window_bounds = array<i64: 64, 1280>}, {transform_indices = @transform_1, window_bounds = array<i64: 1280, 512>}, {transform_indices = @transform_2, window_bounds = array<i64: 1, 512>}, {transform_indices = @transform_3, window_bounds = array<i64: 64, 512>}]} {
    %get3A = arith.constant 0 : index
    %get3A_0 = arith.constant 0 : index
    %get3A_1 = vector.load %arg1[%get3A, %get3A_0] : memref<64x1280xf32, #tpu.memory_space<vmem>>, vector<64x1280xf32>
    %get3A_2 = arith.constant 0 : index
    %get3A_3 = arith.constant 0 : index
    %get3A_4 = vector.load %arg2[%get3A_2, %get3A_3] : memref<1280x512xf32, #tpu.memory_space<vmem>>, vector<1280x512xf32>
    %dot_general3A = arith.constant dense<0.000000e+00> : vector<64x512xf32>
    %dot_general3A_5 = tpu.matmul %get3A_1, %get3A_4, %dot_general3A {dimension_numbers = #tpu.dot_dimension_numbers<[1], [0], [0], [1], [0, 0, 1, 1], [], []>, transpose_lhs_hint = false} : vector<64x1280xf32>, vector<1280x512xf32>, vector<64x512xf32> -> vector<64x512xf32>
    %get3A_6 = arith.constant 0 : index
    %get3A_7 = arith.constant 0 : index
    %get3A_8 = vector.load %arg3[%get3A_6, %get3A_7] : memref<1x512xf32, #tpu.memory_space<vmem>>, vector<1x512xf32>
    %add3A = vector.broadcast %get3A_8 : vector<1x512xf32> to vector<64x512xf32>
    %add3A_9 = arith.addf %dot_general3A_5, %add3A : vector<64x512xf32>
    %swap3A = arith.constant 0 : index
    %swap3A_10 = arith.constant 0 : index
    %swap3A_11 = vector.load %arg4[%swap3A, %swap3A_10] : memref<64x512xf32, #tpu.memory_space<vmem>>, vector<64x512xf32>
    tpu.vector_store %arg4[%swap3A, %swap3A_10], %add3A_9 {strides = array<i32>} : memref<64x512xf32, #tpu.memory_space<vmem>>, vector<64x512xf32>,
    return
  }
  func.func @transform_0(%arg0: i32) -> (i32, i32) {
    %c0_i32 = arith.constant 0 : i32
    %c0_i32_0 = arith.constant 0 : i32
    %c0_i32_1 = arith.constant 0 : i32
    return %c0_i32, %c0_i32_0 : i32, i32
  }
  func.func @transform_1(%arg0: i32) -> (i32, i32) {
    %c0_i32 = arith.constant 0 : i32
    %c0_i32_0 = arith.constant 0 : i32
    return %c0_i32, %arg0 : i32, i32
  }
  func.func @transform_2(%arg0: i32) -> (i32, i32) {
    %c0_i32 = arith.constant 0 : i32
    %c0_i32_0 = arith.constant 0 : i32
    return %c0_i32, %arg0 : i32, i32
  }
  func.func @transform_3(%arg0: i32) -> (i32, i32) {
    %c0_i32 = arith.constant 0 : i32
    %c0_i32_0 = arith.constant 0 : i32
    return %c0_i32, %arg0 : i32, i32
  }
}

module attributes {stable_mosaic.version = 14 : i64} {
  func.func @_seg_body(%arg0: i32, %arg1: memref<2x512x2x128xbf16, #tpu.memory_space<vmem>>, %arg2: memref<512x512xf32, #tpu.memory_space<vmem>>, %arg3: memref<512x512xf32, #tpu.memory_space<vmem>>, %arg4: memref<512x1xf32, #tpu.memory_space<vmem>>, %arg5: memref<1x512xi32, #tpu.memory_space<vmem>>, %arg6: memref<1x512xf32, #tpu.memory_space<vmem>>, %arg7: memref<1x512xf32, #tpu.memory_space<vmem>>, %arg8: memref<1x512xf32, #tpu.memory_space<vmem>>, %arg9: memref<64x512xf32, #tpu.memory_space<vmem>>, %arg10: memref<64x512xf32, #tpu.memory_space<vmem>>) attributes {dimension_semantics = [#tpu.dimension_semantics<arbitrary>], iteration_bounds = array<i64: 20>, scalar_prefetch = 0 : i64, scratch_operands = 0 : i64, tpu.core_type = #tpu.core_type<tc>, window_params = [{transform_indices = @transform_0, window_bounds = array<i64: 2, 512, 2, 128>}, {transform_indices = @transform_1, window_bounds = array<i64: 512, 512>}, {transform_indices = @transform_2, window_bounds = array<i64: 512, 512>}, {transform_indices = @transform_3, window_bounds = array<i64: 512, 1>}, {transform_indices = @transform_4, window_bounds = array<i64: 1, 512>}, {pipeline_mode = #tpu.pipeline_mode<synchronous>, transform_indices = @transform_5, window_bounds = array<i64: 1, 512>}, {pipeline_mode = #tpu.pipeline_mode<synchronous>, transform_indices = @transform_6, window_bounds = array<i64: 1, 512>}, {pipeline_mode = #tpu.pipeline_mode<synchronous>, transform_indices = @transform_7, window_bounds = array<i64: 1, 512>}, {pipeline_mode = #tpu.pipeline_mode<synchronous>, transform_indices = @transform_8, window_bounds = array<i64: 64, 512>}, {pipeline_mode = #tpu.pipeline_mode<synchronous>, transform_indices = @transform_9, window_bounds = array<i64: 64, 512>}]} {
    %get3A = arith.constant 0 : index
    %get3A_0 = arith.constant 0 : index
    %get3A_1 = arith.constant 0 : index
    %get3A_2 = arith.constant 0 : index
    %get3A_3 = vector.load %arg1[%get3A, %get3A_0, %get3A_1, %get3A_2] : memref<2x512x2x128xbf16, #tpu.memory_space<vmem>>, vector<1x512x1x128xbf16>
    %get3A_4 = vector.shape_cast %get3A_3 : vector<1x512x1x128xbf16> to vector<512x128xbf16>
    %convert_element_type3A = arith.extf %get3A_4 : vector<512x128xbf16> to vector<512x128xf32>
    %get3A_5 = arith.constant 0 : index
    %get3A_6 = arith.constant 0 : index
    %get3A_7 = arith.constant 1 : index
    %get3A_8 = arith.constant 0 : index
    %get3A_9 = vector.load %arg1[%get3A_5, %get3A_6, %get3A_7, %get3A_8] : memref<2x512x2x128xbf16, #tpu.memory_space<vmem>>, vector<1x512x1x128xbf16>
    %get3A_10 = vector.shape_cast %get3A_9 : vector<1x512x1x128xbf16> to vector<512x128xbf16>
    %convert_element_type3A_11 = arith.extf %get3A_10 : vector<512x128xbf16> to vector<512x128xf32>
    %get3A_12 = arith.constant 1 : index
    %get3A_13 = arith.constant 0 : index
    %get3A_14 = arith.constant 0 : index
    %get3A_15 = arith.constant 0 : index
    %get3A_16 = vector.load %arg1[%get3A_12, %get3A_13, %get3A_14, %get3A_15] : memref<2x512x2x128xbf16, #tpu.memory_space<vmem>>, vector<1x512x1x128xbf16>
    %get3A_17 = vector.shape_cast %get3A_16 : vector<1x512x1x128xbf16> to vector<512x128xbf16>
    %convert_element_type3A_18 = arith.extf %get3A_17 : vector<512x128xbf16> to vector<512x128xf32>
    %get3A_19 = arith.constant 1 : index
    %get3A_20 = arith.constant 0 : index
    %get3A_21 = arith.constant 1 : index
    %get3A_22 = arith.constant 0 : index
    %get3A_23 = vector.load %arg1[%get3A_19, %get3A_20, %get3A_21, %get3A_22] : memref<2x512x2x128xbf16, #tpu.memory_space<vmem>>, vector<1x512x1x128xbf16>
    %get3A_24 = vector.shape_cast %get3A_23 : vector<1x512x1x128xbf16> to vector<512x128xbf16>
    %convert_element_type3A_25 = arith.extf %get3A_24 : vector<512x128xbf16> to vector<512x128xf32>
    %concatenate3A = tpu.concatenate %convert_element_type3A, %convert_element_type3A_11, %convert_element_type3A_18, %convert_element_type3A_25 in 1 : vector<512x128xf32>, vector<512x128xf32>, vector<512x128xf32>, vector<512x128xf32> -> vector<512x512xf32>
    %get3A_26 = arith.constant 0 : index
    %get3A_27 = arith.constant 0 : index
    %get3A_28 = vector.load %arg2[%get3A_26, %get3A_27] : memref<512x512xf32, #tpu.memory_space<vmem>>, vector<512x512xf32>
    %add3A = arith.addf %concatenate3A, %get3A_28 : vector<512x512xf32>
    %get3A_29 = arith.constant 0 : index
    %get3A_30 = arith.constant 0 : index
    %get3A_31 = vector.load %arg4[%get3A_29, %get3A_30] : memref<512x1xf32, #tpu.memory_space<vmem>>, vector<512x1xf32>
    %mul3A = vector.broadcast %get3A_31 : vector<512x1xf32> to vector<512x512xf32>
    %mul3A_32 = arith.mulf %add3A, %mul3A : vector<512x512xf32>
    %get3A_33 = arith.constant 0 : index
    %get3A_34 = arith.constant 0 : index
    %get3A_35 = vector.load %arg6[%get3A_33, %get3A_34] : memref<1x512xf32, #tpu.memory_space<vmem>>, vector<1x512xf32>
    %add3A_36 = vector.broadcast %get3A_35 : vector<1x512xf32> to vector<512x512xf32>
    %add3A_37 = arith.addf %mul3A_32, %add3A_36 : vector<512x512xf32>
    %get3A_38 = arith.constant 0 : index
    %get3A_39 = arith.constant 0 : index
    %get3A_40 = vector.load %arg7[%get3A_38, %get3A_39] : memref<1x512xf32, #tpu.memory_space<vmem>>, vector<1x512xf32>
    %rsqrt3A = arith.constant 1.000010e+00 : f32
    %rsqrt3A_41 = math.rsqrt %rsqrt3A : f32
    %mul3A_42 = vector.broadcast %rsqrt3A_41 : f32 to vector<1x512xf32>
    %mul3A_43 = arith.mulf %get3A_40, %mul3A_42 : vector<1x512xf32>
    %max3A = arith.constant 0.000000e+00 : f32
    %max3A_44 = vector.broadcast %max3A : f32 to vector<512x512xf32>
    %max3A_45 = arith.maximumf %add3A_37, %max3A_44 : vector<512x512xf32>
    %mul3A_46 = vector.broadcast %mul3A_43 : vector<1x512xf32> to vector<512x512xf32>
    %mul3A_47 = arith.mulf %max3A_45, %mul3A_46 : vector<512x512xf32>
    %get3A_48 = arith.constant 0 : index
    %get3A_49 = arith.constant 0 : index
    %get3A_50 = vector.load %arg8[%get3A_48, %get3A_49] : memref<1x512xf32, #tpu.memory_space<vmem>>, vector<1x512xf32>
    %add3A_51 = vector.broadcast %get3A_50 : vector<1x512xf32> to vector<512x512xf32>
    %add3A_52 = arith.addf %mul3A_47, %add3A_51 : vector<512x512xf32>
    %iota3A = tpu.iota {dimensions = array<i32: 0>} : vector<512x1xi32>
    %mul3A_53 = arith.constant 512 : i32
    %mul3A_54 = arith.muli %arg0, %mul3A_53 : i32
    %add3A_55 = vector.broadcast %mul3A_54 : i32 to vector<512x1xi32>
    %add3A_56 = arith.addi %iota3A, %add3A_55 : vector<512x1xi32>
    %lt3A = arith.constant 10000 : i32
    %lt3A_57 = vector.broadcast %lt3A : i32 to vector<512x1xi32>
    %lt3A_58 = arith.cmpi slt, %add3A_56, %lt3A_57 : vector<512x1xi32>
    %jit3A = arith.constant 0.000000e+00 : f32
    %broadcast_in_dim3A = vector.shape_cast %lt3A_58 : vector<512x1xi1> to vector<512x1xi1>
    %broadcast_in_dim3A_59 = vector.broadcast %broadcast_in_dim3A : vector<512x1xi1> to vector<512x512xi1>
    %broadcast_in_dim3A_60 = vector.broadcast %jit3A : f32 to vector<512x512xf32>
    %select_n3A = arith.select %broadcast_in_dim3A_59, %add3A_52, %broadcast_in_dim3A_60 : vector<512x512xi1>, vector<512x512xf32>
    %get3A_61 = arith.constant 0 : index
    %get3A_62 = arith.constant 0 : index
    %get3A_63 = vector.load %arg3[%get3A_61, %get3A_62] : memref<512x512xf32, #tpu.memory_space<vmem>>, vector<512x512xf32>
    %jit3A_64 = arith.constant 0.000000e+00 : f32
    %broadcast_in_dim3A_65 = vector.shape_cast %lt3A_58 : vector<512x1xi1> to vector<512x1xi1>
    %broadcast_in_dim3A_66 = vector.broadcast %broadcast_in_dim3A_65 : vector<512x1xi1> to vector<512x512xi1>
    %broadcast_in_dim3A_67 = vector.broadcast %jit3A_64 : f32 to vector<512x512xf32>
    %select_n3A_68 = arith.select %broadcast_in_dim3A_66, %get3A_63, %broadcast_in_dim3A_67 : vector<512x512xi1>, vector<512x512xf32>
    %iota3A_69 = tpu.iota {dimensions = array<i32: 1>} : vector<1x512xi32>
    %mul3A_70 = arith.constant 512 : i32
    %mul3A_71 = arith.muli %arg0, %mul3A_70 : i32
    %add3A_72 = vector.broadcast %mul3A_71 : i32 to vector<1x512xi32>
    %add3A_73 = arith.addi %iota3A_69, %add3A_72 : vector<1x512xi32>
    %lt3A_74 = arith.constant 10000 : i32
    %lt3A_75 = vector.broadcast %lt3A_74 : i32 to vector<1x512xi32>
    %lt3A_76 = arith.cmpi slt, %add3A_73, %lt3A_75 : vector<1x512xi32>
    %get3A_77 = arith.constant 0 : index
    %get3A_78 = arith.constant 0 : index
    %get3A_79 = vector.load %arg5[%get3A_77, %get3A_78] : memref<1x512xi32, #tpu.memory_space<vmem>>, vector<1x512xi32>
    %iota3A_80 = tpu.iota {dimensions = array<i32: 0>} : vector<64x512xi32>
    %eq3A = vector.broadcast %get3A_79 : vector<1x512xi32> to vector<64x512xi32>
    %eq3A_81 = arith.cmpi eq, %eq3A, %iota3A_80 : vector<64x512xi32>
    %and3A = vector.broadcast %lt3A_76 : vector<1x512xi1> to vector<64x512xi1>
    %and3A_82 = arith.andi %eq3A_81, %and3A : vector<64x512xi1>
    %convert_element_type3A_83 = arith.extui %and3A_82 : vector<64x512xi1> to vector<64x512xi32>
    %convert_element_type3A_84 = arith.sitofp %convert_element_type3A_83 : vector<64x512xi32> to vector<64x512xf32>
    %eq3A_85 = arith.constant 0 : i32
    %eq3A_86 = arith.cmpi eq, %arg0, %eq3A_85 : i32
    %convert_element_type3A_87 = arith.extui %eq3A_86 : i1 to i32
    %cond3A = arith.constant 0 : i32
    %cond3A_88 = arith.cmpi ne, %convert_element_type3A_87, %cond3A : i32
    scf.if %cond3A_88 {
      %broadcast_in_dim3A_105 = arith.constant 0.000000e+00 : f32
      %broadcast_in_dim3A_106 = vector.broadcast %broadcast_in_dim3A_105 : f32 to vector<64x512xf32>
      %swap3A_107 = arith.constant 0 : index
      %swap3A_108 = arith.constant 0 : index
      %swap3A_109 = vector.load %arg9[%swap3A_107, %swap3A_108] : memref<64x512xf32, #tpu.memory_space<vmem>>, vector<64x512xf32>
      tpu.vector_store %arg9[%swap3A_107, %swap3A_108], %broadcast_in_dim3A_106 {strides = array<i32>} : memref<64x512xf32, #tpu.memory_space<vmem>>, vector<64x512xf32>,
      %broadcast_in_dim3A_110 = arith.constant 0.000000e+00 : f32
      %broadcast_in_dim3A_111 = vector.broadcast %broadcast_in_dim3A_110 : f32 to vector<64x512xf32>
      %swap3A_112 = arith.constant 0 : index
      %swap3A_113 = arith.constant 0 : index
      %swap3A_114 = vector.load %arg10[%swap3A_112, %swap3A_113] : memref<64x512xf32, #tpu.memory_space<vmem>>, vector<64x512xf32>
      tpu.vector_store %arg10[%swap3A_112, %swap3A_113], %broadcast_in_dim3A_111 {strides = array<i32>} : memref<64x512xf32, #tpu.memory_space<vmem>>, vector<64x512xf32>,
    } else {
    }
    %get3A_89 = arith.constant 0 : index
    %get3A_90 = arith.constant 0 : index
    %get3A_91 = vector.load %arg9[%get3A_89, %get3A_90] : memref<64x512xf32, #tpu.memory_space<vmem>>, vector<64x512xf32>
    %dot_general3A = arith.constant dense<0.000000e+00> : vector<64x512xf32>
    %dot_general3A_92 = tpu.matmul %convert_element_type3A_84, %select_n3A_68, %dot_general3A {dimension_numbers = #tpu.dot_dimension_numbers<[1], [0], [0], [1], [0, 0, 1, 1], [], []>, transpose_lhs_hint = false} : vector<64x512xf32>, vector<512x512xf32>, vector<64x512xf32> -> vector<64x512xf32>
    %add3A_93 = arith.addf %get3A_91, %dot_general3A_92 : vector<64x512xf32>
    %swap3A = arith.constant 0 : index
    %swap3A_94 = arith.constant 0 : index
    %swap3A_95 = vector.load %arg9[%swap3A, %swap3A_94] : memref<64x512xf32, #tpu.memory_space<vmem>>, vector<64x512xf32>
    tpu.vector_store %arg9[%swap3A, %swap3A_94], %add3A_93 {strides = array<i32>} : memref<64x512xf32, #tpu.memory_space<vmem>>, vector<64x512xf32>,
    %get3A_96 = arith.constant 0 : index
    %get3A_97 = arith.constant 0 : index
    %get3A_98 = vector.load %arg10[%get3A_96, %get3A_97] : memref<64x512xf32, #tpu.memory_space<vmem>>, vector<64x512xf32>
    %dot_general3A_99 = arith.constant dense<0.000000e+00> : vector<64x512xf32>
    %dot_general3A_100 = tpu.matmul %convert_element_type3A_84, %select_n3A, %dot_general3A_99 {dimension_numbers = #tpu.dot_dimension_numbers<[1], [0], [0], [1], [0, 0, 1, 1], [], []>, transpose_lhs_hint = false} : vector<64x512xf32>, vector<512x512xf32>, vector<64x512xf32> -> vector<64x512xf32>
    %add3A_101 = arith.addf %get3A_98, %dot_general3A_100 : vector<64x512xf32>
    %swap3A_102 = arith.constant 0 : index
    %swap3A_103 = arith.constant 0 : index
    %swap3A_104 = vector.load %arg10[%swap3A_102, %swap3A_103] : memref<64x512xf32, #tpu.memory_space<vmem>>, vector<64x512xf32>
    tpu.vector_store %arg10[%swap3A_102, %swap3A_103], %add3A_101 {strides = array<i32>} : memref<64x512xf32, #tpu.memory_space<vmem>>, vector<64x512xf32>,
    return
  }
  func.func @transform_0(%arg0: i32) -> (i32, i32, i32, i32) {
    %c0_i32 = arith.constant 0 : i32
    %c0_i32_0 = arith.constant 0 : i32
    %c0_i32_1 = arith.constant 0 : i32
    %c0_i32_2 = arith.constant 0 : i32
    return %c0_i32, %arg0, %c0_i32_0, %c0_i32_1 : i32, i32, i32, i32
  }
  func.func @transform_1(%arg0: i32) -> (i32, i32) {
    %c0_i32 = arith.constant 0 : i32
    %c0_i32_0 = arith.constant 0 : i32
    return %arg0, %c0_i32 : i32, i32
  }
  func.func @transform_2(%arg0: i32) -> (i32, i32) {
    %c0_i32 = arith.constant 0 : i32
    %c0_i32_0 = arith.constant 0 : i32
    return %arg0, %c0_i32 : i32, i32
  }
  func.func @transform_3(%arg0: i32) -> (i32, i32) {
    %c0_i32 = arith.constant 0 : i32
    %c0_i32_0 = arith.constant 0 : i32
    return %arg0, %c0_i32 : i32, i32
  }
  func.func @transform_4(%arg0: i32) -> (i32, i32) {
    %c0_i32 = arith.constant 0 : i32
    %c0_i32_0 = arith.constant 0 : i32
    return %c0_i32, %arg0 : i32, i32
  }
  func.func @transform_5(%arg0: i32) -> (i32, i32) {
    %c0_i32 = arith.constant 0 : i32
    %c0_i32_0 = arith.constant 0 : i32
    %c0_i32_1 = arith.constant 0 : i32
    return %c0_i32, %c0_i32_0 : i32, i32
  }
  func.func @transform_6(%arg0: i32) -> (i32, i32) {
    %c0_i32 = arith.constant 0 : i32
    %c0_i32_0 = arith.constant 0 : i32
    %c0_i32_1 = arith.constant 0 : i32
    return %c0_i32, %c0_i32_0 : i32, i32
  }
  func.func @transform_7(%arg0: i32) -> (i32, i32) {
    %c0_i32 = arith.constant 0 : i32
    %c0_i32_0 = arith.constant 0 : i32
    %c0_i32_1 = arith.constant 0 : i32
    return %c0_i32, %c0_i32_0 : i32, i32
  }
  func.func @transform_8(%arg0: i32) -> (i32, i32) {
    %c0_i32 = arith.constant 0 : i32
    %c0_i32_0 = arith.constant 0 : i32
    %c0_i32_1 = arith.constant 0 : i32
    return %c0_i32, %c0_i32_0 : i32, i32
  }
  func.func @transform_9(%arg0: i32) -> (i32, i32) {
    %c0_i32 = arith.constant 0 : i32
    %c0_i32_0 = arith.constant 0 : i32
    %c0_i32_1 = arith.constant 0 : i32
    return %c0_i32, %c0_i32_0 : i32, i32
  }
}

module attributes {stable_mosaic.version = 14 : i64} {
  func.func @_fc2_body(%arg0: i32, %arg1: memref<64x3584xf32, #tpu.memory_space<vmem>>, %arg2: memref<64x3584xf32, #tpu.memory_space<vmem>>, %arg3: memref<1x3584xf32, #tpu.memory_space<vmem>>, %arg4: memref<1x3584xf32, #tpu.memory_space<vmem>>, %arg5: memref<3584x512xf32, #tpu.memory_space<vmem>>, %arg6: memref<1x512xf32, #tpu.memory_space<vmem>>, %arg7: memref<1x512xf32, #tpu.memory_space<vmem>>, %arg8: memref<1x512xf32, #tpu.memory_space<vmem>>, %arg9: memref<64x512xf32, #tpu.memory_space<vmem>>) attributes {dimension_semantics = [#tpu.dimension_semantics<arbitrary>], iteration_bounds = array<i64: 6>, scalar_prefetch = 0 : i64, scratch_operands = 0 : i64, tpu.core_type = #tpu.core_type<tc>, window_params = [{pipeline_mode = #tpu.pipeline_mode<synchronous>, transform_indices = @transform_0, window_bounds = array<i64: 64, 3584>}, {pipeline_mode = #tpu.pipeline_mode<synchronous>, transform_indices = @transform_1, window_bounds = array<i64: 64, 3584>}, {pipeline_mode = #tpu.pipeline_mode<synchronous>, transform_indices = @transform_2, window_bounds = array<i64: 1, 3584>}, {pipeline_mode = #tpu.pipeline_mode<synchronous>, transform_indices = @transform_3, window_bounds = array<i64: 1, 3584>}, {transform_indices = @transform_4, window_bounds = array<i64: 3584, 512>}, {transform_indices = @transform_5, window_bounds = array<i64: 1, 512>}, {transform_indices = @transform_6, window_bounds = array<i64: 1, 512>}, {transform_indices = @transform_7, window_bounds = array<i64: 1, 512>}, {transform_indices = @transform_8, window_bounds = array<i64: 64, 512>}]} {
    %get3A = arith.constant 0 : index
    %get3A_0 = arith.constant 0 : index
    %get3A_1 = vector.load %arg3[%get3A, %get3A_0] : memref<1x3584xf32, #tpu.memory_space<vmem>>, vector<1x3584xf32>
    %rsqrt3A = arith.constant 1.000010e+00 : f32
    %rsqrt3A_2 = math.rsqrt %rsqrt3A : f32
    %mul3A = vector.broadcast %rsqrt3A_2 : f32 to vector<1x3584xf32>
    %mul3A_3 = arith.mulf %get3A_1, %mul3A : vector<1x3584xf32>
    %get3A_4 = arith.constant 0 : index
    %get3A_5 = arith.constant 0 : index
    %get3A_6 = vector.load %arg1[%get3A_4, %get3A_5] : memref<64x3584xf32, #tpu.memory_space<vmem>>, vector<64x3584xf32>
    %get3A_7 = arith.constant 0 : index
    %get3A_8 = arith.constant 0 : index
    %get3A_9 = vector.load %arg2[%get3A_7, %get3A_8] : memref<64x3584xf32, #tpu.memory_space<vmem>>, vector<64x3584xf32>
    %add3A = arith.addf %get3A_6, %get3A_9 : vector<64x3584xf32>
    %mul3A_10 = vector.broadcast %mul3A_3 : vector<1x3584xf32> to vector<64x3584xf32>
    %mul3A_11 = arith.mulf %add3A, %mul3A_10 : vector<64x3584xf32>
    %get3A_12 = arith.constant 0 : index
    %get3A_13 = arith.constant 0 : index
    %get3A_14 = vector.load %arg4[%get3A_12, %get3A_13] : memref<1x3584xf32, #tpu.memory_space<vmem>>, vector<1x3584xf32>
    %add3A_15 = vector.broadcast %get3A_14 : vector<1x3584xf32> to vector<64x3584xf32>
    %add3A_16 = arith.addf %mul3A_11, %add3A_15 : vector<64x3584xf32>
    %get3A_17 = arith.constant 0 : index
    %get3A_18 = arith.constant 0 : index
    %get3A_19 = vector.load %arg5[%get3A_17, %get3A_18] : memref<3584x512xf32, #tpu.memory_space<vmem>>, vector<3584x512xf32>
    %dot_general3A = arith.constant dense<0.000000e+00> : vector<64x512xf32>
    %dot_general3A_20 = tpu.matmul %add3A_16, %get3A_19, %dot_general3A {dimension_numbers = #tpu.dot_dimension_numbers<[1], [0], [0], [1], [0, 0, 1, 1], [], []>, transpose_lhs_hint = false} : vector<64x3584xf32>, vector<3584x512xf32>, vector<64x512xf32> -> vector<64x512xf32>
    %get3A_21 = arith.constant 0 : index
    %get3A_22 = arith.constant 0 : index
    %get3A_23 = vector.load %arg7[%get3A_21, %get3A_22] : memref<1x512xf32, #tpu.memory_space<vmem>>, vector<1x512xf32>
    %rsqrt3A_24 = arith.constant 1.000010e+00 : f32
    %rsqrt3A_25 = math.rsqrt %rsqrt3A_24 : f32
    %mul3A_26 = vector.broadcast %rsqrt3A_25 : f32 to vector<1x512xf32>
    %mul3A_27 = arith.mulf %get3A_23, %mul3A_26 : vector<1x512xf32>
    %get3A_28 = arith.constant 0 : index
    %get3A_29 = arith.constant 0 : index
    %get3A_30 = vector.load %arg6[%get3A_28, %get3A_29] : memref<1x512xf32, #tpu.memory_space<vmem>>, vector<1x512xf32>
    %add3A_31 = vector.broadcast %get3A_30 : vector<1x512xf32> to vector<64x512xf32>
    %add3A_32 = arith.addf %dot_general3A_20, %add3A_31 : vector<64x512xf32>
    %mul3A_33 = vector.broadcast %mul3A_27 : vector<1x512xf32> to vector<64x512xf32>
    %mul3A_34 = arith.mulf %add3A_32, %mul3A_33 : vector<64x512xf32>
    %get3A_35 = arith.constant 0 : index
    %get3A_36 = arith.constant 0 : index
    %get3A_37 = vector.load %arg8[%get3A_35, %get3A_36] : memref<1x512xf32, #tpu.memory_space<vmem>>, vector<1x512xf32>
    %add3A_38 = vector.broadcast %get3A_37 : vector<1x512xf32> to vector<64x512xf32>
    %add3A_39 = arith.addf %mul3A_34, %add3A_38 : vector<64x512xf32>
    %swap3A = arith.constant 0 : index
    %swap3A_40 = arith.constant 0 : index
    %swap3A_41 = vector.load %arg9[%swap3A, %swap3A_40] : memref<64x512xf32, #tpu.memory_space<vmem>>, vector<64x512xf32>
    tpu.vector_store %arg9[%swap3A, %swap3A_40], %add3A_39 {strides = array<i32>} : memref<64x512xf32, #tpu.memory_space<vmem>>, vector<64x512xf32>,
    return
  }
  func.func @transform_0(%arg0: i32) -> (i32, i32) {
    %c0_i32 = arith.constant 0 : i32
    %c0_i32_0 = arith.constant 0 : i32
    %c0_i32_1 = arith.constant 0 : i32
    return %c0_i32, %c0_i32_0 : i32, i32
  }
  func.func @transform_1(%arg0: i32) -> (i32, i32) {
    %c0_i32 = arith.constant 0 : i32
    %c0_i32_0 = arith.constant 0 : i32
    %c0_i32_1 = arith.constant 0 : i32
    return %c0_i32, %c0_i32_0 : i32, i32
  }
  func.func @transform_2(%arg0: i32) -> (i32, i32) {
    %c0_i32 = arith.constant 0 : i32
    %c0_i32_0 = arith.constant 0 : i32
    %c0_i32_1 = arith.constant 0 : i32
    return %c0_i32, %c0_i32_0 : i32, i32
  }
  func.func @transform_3(%arg0: i32) -> (i32, i32) {
    %c0_i32 = arith.constant 0 : i32
    %c0_i32_0 = arith.constant 0 : i32
    %c0_i32_1 = arith.constant 0 : i32
    return %c0_i32, %c0_i32_0 : i32, i32
  }
  func.func @transform_4(%arg0: i32) -> (i32, i32) {
    %c0_i32 = arith.constant 0 : i32
    %c0_i32_0 = arith.constant 0 : i32
    return %c0_i32, %arg0 : i32, i32
  }
  func.func @transform_5(%arg0: i32) -> (i32, i32) {
    %c0_i32 = arith.constant 0 : i32
    %c0_i32_0 = arith.constant 0 : i32
    return %c0_i32, %arg0 : i32, i32
  }
  func.func @transform_6(%arg0: i32) -> (i32, i32) {
    %c0_i32 = arith.constant 0 : i32
    %c0_i32_0 = arith.constant 0 : i32
    return %c0_i32, %arg0 : i32, i32
  }
  func.func @transform_7(%arg0: i32) -> (i32, i32) {
    %c0_i32 = arith.constant 0 : i32
    %c0_i32_0 = arith.constant 0 : i32
    return %c0_i32, %arg0 : i32, i32
  }
  func.func @transform_8(%arg0: i32) -> (i32, i32) {
    %c0_i32 = arith.constant 0 : i32
    %c0_i32_0 = arith.constant 0 : i32
    return %c0_i32, %arg0 : i32, i32
  }
}

module attributes {stable_mosaic.version = 14 : i64} {
  func.func @_fc3_body(%arg0: memref<64x3000xf32, #tpu.memory_space<vmem>>, %arg1: memref<2x3000x500xf32, #tpu.memory_space<vmem>>, %arg2: memref<1x500xf32, #tpu.memory_space<vmem>>, %arg3: memref<1x500xf32, #tpu.memory_space<vmem>>, %arg4: memref<1x500xf32, #tpu.memory_space<vmem>>, %arg5: memref<64x500xf32, #tpu.memory_space<vmem>>) attributes {dimension_semantics = [], scalar_prefetch = 0 : i64, scratch_operands = 0 : i64, tpu.core_type = #tpu.core_type<tc>} {
    %get3A = arith.constant 0 : index
    %get3A_0 = arith.constant 0 : index
    %get3A_1 = arith.constant 0 : index
    %get3A_2 = vector.load %arg1[%get3A, %get3A_0, %get3A_1] : memref<2x3000x500xf32, #tpu.memory_space<vmem>>, vector<1x3000x500xf32>
    %get3A_3 = vector.shape_cast %get3A_2 : vector<1x3000x500xf32> to vector<3000x500xf32>
    %get3A_4 = arith.constant 1 : index
    %get3A_5 = arith.constant 0 : index
    %get3A_6 = arith.constant 0 : index
    %get3A_7 = vector.load %arg1[%get3A_4, %get3A_5, %get3A_6] : memref<2x3000x500xf32, #tpu.memory_space<vmem>>, vector<1x3000x500xf32>
    %get3A_8 = vector.shape_cast %get3A_7 : vector<1x3000x500xf32> to vector<3000x500xf32>
    %add3A = arith.addf %get3A_3, %get3A_8 : vector<3000x500xf32>
    %get3A_9 = arith.constant 0 : index
    %get3A_10 = arith.constant 0 : index
    %get3A_11 = vector.load %arg0[%get3A_9, %get3A_10] : memref<64x3000xf32, #tpu.memory_space<vmem>>, vector<64x3000xf32>
    %dot_general3A = arith.constant dense<0.000000e+00> : vector<64x500xf32>
    %dot_general3A_12 = tpu.matmul %get3A_11, %add3A, %dot_general3A {dimension_numbers = #tpu.dot_dimension_numbers<[1], [0], [0], [1], [0, 0, 1, 1], [], []>, transpose_lhs_hint = false} : vector<64x3000xf32>, vector<3000x500xf32>, vector<64x500xf32> -> vector<64x500xf32>
    %get3A_13 = arith.constant 0 : index
    %get3A_14 = arith.constant 0 : index
    %get3A_15 = vector.load %arg3[%get3A_13, %get3A_14] : memref<1x500xf32, #tpu.memory_space<vmem>>, vector<1x500xf32>
    %rsqrt3A = arith.constant 1.000010e+00 : f32
    %rsqrt3A_16 = math.rsqrt %rsqrt3A : f32
    %mul3A = vector.broadcast %rsqrt3A_16 : f32 to vector<1x500xf32>
    %mul3A_17 = arith.mulf %get3A_15, %mul3A : vector<1x500xf32>
    %get3A_18 = arith.constant 0 : index
    %get3A_19 = arith.constant 0 : index
    %get3A_20 = vector.load %arg2[%get3A_18, %get3A_19] : memref<1x500xf32, #tpu.memory_space<vmem>>, vector<1x500xf32>
    %add3A_21 = vector.broadcast %get3A_20 : vector<1x500xf32> to vector<64x500xf32>
    %add3A_22 = arith.addf %dot_general3A_12, %add3A_21 : vector<64x500xf32>
    %mul3A_23 = vector.broadcast %mul3A_17 : vector<1x500xf32> to vector<64x500xf32>
    %mul3A_24 = arith.mulf %add3A_22, %mul3A_23 : vector<64x500xf32>
    %get3A_25 = arith.constant 0 : index
    %get3A_26 = arith.constant 0 : index
    %get3A_27 = vector.load %arg4[%get3A_25, %get3A_26] : memref<1x500xf32, #tpu.memory_space<vmem>>, vector<1x500xf32>
    %add3A_28 = vector.broadcast %get3A_27 : vector<1x500xf32> to vector<64x500xf32>
    %add3A_29 = arith.addf %mul3A_24, %add3A_28 : vector<64x500xf32>
    %logistic3A = arith.negf %add3A_29 : vector<64x500xf32>
    %logistic3A_30 = math.exp %logistic3A : vector<64x500xf32>
    %logistic3A_31 = arith.constant 1.000000e+00 : f32
    %logistic3A_32 = vector.broadcast %logistic3A_31 : f32 to vector<64x500xf32>
    %logistic3A_33 = arith.addf %logistic3A_32, %logistic3A_30 : vector<64x500xf32>
    %logistic3A_34 = arith.divf %logistic3A_32, %logistic3A_33 : vector<64x500xf32>
    %swap3A = arith.constant 0 : index
    %swap3A_35 = arith.constant 0 : index
    %swap3A_36 = vector.load %arg5[%swap3A, %swap3A_35] : memref<64x500xf32, #tpu.memory_space<vmem>>, vector<64x500xf32>
    tpu.vector_store %arg5[%swap3A, %swap3A_35], %logistic3A_34 {strides = array<i32>} : memref<64x500xf32, #tpu.memory_space<vmem>>, vector<64x500xf32>,
    return
  }
}

</mosaic_0001>

<sc_bundles>
// kernel: kernel.14.cloned.1.call-start
scs
__scs_entry_jumppad:
0x0: {  	(pc) =	sbr.rel $0x88, $3  }
0x1: {  	(tag) =	ssettag $0x0;
	lr =	simm.s32 $0x1  }
0x2: {  	[smem:$0x3F89] =	sst lr;
	_ =	strace $0xD0000000  }
0x3: {  	_ = 	snop  }
0x4: {  	_ = 	snop  }
0x5: {  	_ = 	snop  }
0x6: {  	_ = 	snop  }
0x7: {  	_ = 	snop  }
__scs_overlays_trampoline_lowered:
0x8: {  	[smem:$0x3F98] =	sst s0  }
0x9: {  	[smem:$0x3F99] =	sst s1  }
0xa: {  	[smem:$0x3F9A] =	sst s2  }
0xb: {  	[smem:$0x3F9B] =	sst s3  }
0xc: {  	[smem:$0x3F9C] =	sst s4  }
0xd: {  	[smem:$0x3F9D] =	sst s5  }
0xe: {  	[smem:$0x3F9E] =	sst s6  }
0xf: {  	[smem:$0x3F9F] =	sst s7  }
0x10: {  	[smem:$0x3FA0] =	sst s8  }
0x11: {  	[smem:$0x3FA1] =	sst s9;
	s0 =	simm.s32 @!p0 $0x0  }
0x12: {  	s1 =	sld [smem:$0x3F87];
	s0 =	simm.s32 @p0 $0x1  }
0x13: {  	[smem:$0x3FA2] =	sst s0;
	s0 =	simm.s32 @!p1 $0x0  }
0x14: {  	s2 =	sld [smem:$0x3F86];
	s0 =	simm.s32 @p1 $0x1  }
0x15: {  	[smem:$0x3FA3] =	sst s0;
	s0 =	simm.s32 @!p2 $0x0  }
0x16: {  	s3 =	sld [smem:$0x3FDB];
	s0 =	simm.s32 @p2 $0x1  }
0x17: {  	s4 =	simm.s32 $0x1BF5;
	[smem:$0x3FA5] =	sst s0  }
0x18: {  	s0 =	sld [smem:$0x3F88];
	_ =	swait.ge [sflag:s4], $0x0  }
0x19: {  	s7 =	sld [smem:$0x3F89]  }
0x1a: {  	s8 =	sadd.s32 $0xFFFFE003, lr  }
0x1b: {  	s9 =	sadd.s32 $0xFFFFFEF7, lr;
	s5 =	simm.s32 $0xFFFFFFFF;
	p2 =	slt.u32 s8, $0xFFFFF086  }
0x1c: {  	p1 =	slt.u32 s9, $0xF7A;
	s5 =	simm.s32 @!p2 $0x0  }
0x1d: {  	s5 =	simm.s32 @p1 $0x1;
	p0 =	seq.s32 s7, s2  }
0x1e: {  	s7 =	smul.u32 @!p0 $0xF7A, s2;
	p2 =	seq.s32 @!p0 s5, $0x0  }
0x1f: {  	s9 =	smul.u32 $0xF7A, s1;
	s8 =	simm.s32 @!p0 $0x1BF5;
	p2 =	por !p2, p0  }
0x20: {  	[sflag:s8] =	ssyncset.s32 @!p0 $0xFFFFF086;
	s6 =	sadd.s32 @!p0 s3, s7;
	s7 =	simm.s32 @!p0 $0x108  }
0x21: {  	s3 =	sadd.s32 s3, s9;
	s6 =	sadd.s32 @!p0 $0x88, s6;
	s7 =	simm.s32 @p2 $0x1082  }
0x22: {  	[simem:s7], [sflag:s8] =	dma.local @!p0 [hbm:s6], $0xF7A  }
0x23: {  	s9 =	sor.u32 $0xD0000000, s2;
	s6 =	simm.s32 $0x108;
	_ =	swait.ge @!p0 [sflag:s8], $0x0  }
0x24: {  	s3 =	sadd.s32 $0x88, s3;
	s6 =	simm.s32 @!p1 $0x1082;
	[sflag:s4] =	ssyncset.s32 $0xFFFFF086  }
0x25: {  	[simem:s6], [sflag:s4] =	dma.local [hbm:s3], $0xF7A  }
0x26: {  	[smem:$0x3F89] =	sst s1;
	(tag) =	ssettag s2;
	_ =	strace s9  }
0x27: {  	s1 =	sld [smem:$0x3F99]  }
0x28: {  	s2 =	sld [smem:$0x3F9A]  }
0x29: {  	s4 =	sld [smem:$0x3F9C]  }
0x2a: {  	p0 =	seq.s32 s5, $0x0;
	s5 =	sld [smem:$0x3F9D]  }
0x2b: {  	s6 =	sld [smem:$0x3F9E]  }
0x2c: {  	s7 =	sld [smem:$0x3F9F]  }
0x2d: {  	s3 =	simm.s32 $0x108;
	s8 =	sld [smem:$0x3FA0]  }
0x2e: {  	s3 =	simm.s32 @!p0 $0x1082;
	s9 =	sld [smem:$0x3FA1]  }
0x2f: {  	lr =	sadd.s32 s0, s3;
	s0 =	sld [smem:$0x3F98]  }
0x30: {  	s3 =	sld [smem:$0x3F9B]  }
0x31: {  	[smem:$0x3FA4] =	sst s10  }
0x32: {  	s10 =	sld [smem:$0x3FA2];
	_ =	sdelay $0x3  }
0x33: {  	p0 =	seq.s32 s10, $0x1;
	s10 =	sld [smem:$0x3FA4];
	_ =	sdelay $0x3  }
0x34: {  	[smem:$0x3FA4] =	sst s10  }
0x35: {  	s10 =	sld [smem:$0x3FA3];
	_ =	sdelay $0x3  }
0x36: {  	p1 =	seq.s32 s10, $0x1;
	s10 =	sld [smem:$0x3FA4];
	_ =	sdelay $0x3  }
0x37: {  	[smem:$0x3FA4] =	sst s10  }
0x38: {  	s10 =	sld [smem:$0x3FA5]  }
0x39: {  	_ = 	snop;
	(pc) =	sbr.ind lr, $3  }
0x3a: {  	_ = 	snop  }
0x3b: {  	_ = 	snop  }
0x3c: {  	p2 =	seq.s32 s10, $0x1;
	s10 =	sld [smem:$0x3FA4]  }
0x3d: {  	_ =	shalt  }
0x3e: {  	_ =	shalt  }
0x3f: {  	_ =	shalt  }
0x40: {  	_ =	shalt  }
0x41: {  	_ =	shalt  }
0x42: {  	_ =	shalt  }
0x43: {  	_ =	shalt  }
0x44: {  	_ =	shalt  }
0x45: {  	_ =	shalt  }
0x46: {  	_ =	shalt  }
0x47: {  	_ =	shalt  }
0x48: {  	_ =	shalt  }
0x49: {  	_ =	shalt  }
0x4a: {  	_ =	shalt  }
0x4b: {  	_ =	shalt  }
0x4c: {  	_ =	shalt  }
0x4d: {  	_ =	shalt  }
0x4e: {  	_ =	shalt  }
0x4f: {  	_ =	shalt  }
0x50: {  	_ =	shalt  }
0x51: {  	_ =	shalt  }
0x52: {  	_ =	shalt  }
0x53: {  	_ =	shalt  }
0x54: {  	_ =	shalt  }
0x55: {  	_ =	shalt  }
0x56: {  	_ =	shalt  }
0x57: {  	_ =	shalt  }
0x58: {  	_ =	shalt  }
0x59: {  	_ =	shalt  }
0x5a: {  	_ =	shalt  }
0x5b: {  	_ =	shalt  }
0x5c: {  	_ =	shalt  }
0x5d: {  	_ =	shalt  }
0x5e: {  	_ =	shalt  }
0x5f: {  	_ =	shalt  }
0x60: {  	_ =	shalt  }
0x61: {  	_ =	shalt  }
0x62: {  	_ =	shalt  }
0x63: {  	_ =	shalt  }
0x64: {  	_ =	shalt  }
0x65: {  	_ =	shalt  }
0x66: {  	_ =	shalt  }
0x67: {  	_ =	shalt  }
0x68: {  	_ =	shalt  }
0x69: {  	_ =	shalt  }
0x6a: {  	_ =	shalt  }
0x6b: {  	_ =	shalt  }
0x6c: {  	_ =	shalt  }
0x6d: {  	_ =	shalt  }
0x6e: {  	_ =	shalt  }
0x6f: {  	_ =	shalt  }
0x70: {  	_ =	shalt  }
0x71: {  	_ =	shalt  }
0x72: {  	_ =	shalt  }
0x73: {  	_ =	shalt  }
0x74: {  	_ =	shalt  }
0x75: {  	_ =	shalt  }
0x76: {  	_ =	shalt  }
0x77: {  	_ =	shalt  }
0x78: {  	_ =	shalt  }
0x79: {  	_ =	shalt  }
0x7a: {  	_ =	shalt  }
0x7b: {  	_ =	shalt  }
0x7c: {  	_ =	shalt  }
0x7d: {  	_ =	shalt  }
0x7e: {  	_ =	shalt  }
0x7f: {  	_ =	shalt  }
0x80: {  	_ =	shalt  }
0x81: {  	_ =	shalt  }
0x82: {  	_ =	shalt  }
0x83: {  	_ =	shalt  }
0x84: {  	_ =	shalt  }
0x85: {  	_ =	shalt  }
0x86: {  	_ =	shalt  }
0x87: {  	_ =	shalt  }
.Lfunc_end0:
.L_simem_size_0:
called_computation_lowered:
.L_overlay_start_0:
0x88: {  	s2 =	sld [smem:$0x3FD9]  }
0x89: {  	s3 =	sld [smem:$0x3FFE];
	_ =	sdelay $0x1  }
0x8a: {  	s1 =	srdreg.scid  }
0x8b: {  	s0 =	sand.u32 $0x1, s1  }
0x8c: {  	s16 =	sshll.u32 s0, $0xA;
	s2 =	sadd.s32 s3, s2  }
0x8d: {  	s2 =	sadd.s32 s2, s16  }
0x8e: {  	[smem:$0x3FB0] =	sst s2  }
0x8f: {  	_ = 	snop  }
0x90: {  	(tm) =	ssettm $0x1  }
0x91: {  	s17 =	sld [smem:$0x3FFB];
	_ =	sdelay $0x3  }
0x92: {  	_ =	strace s17  }
0x93: {  	s2 =	sld [smem:$0x3FFC];
	_ =	sdelay $0x3  }
0x94: {  	_ =	strace s2  }
0x95: {  	s2 =	sld [smem:$0x3FFD];
	_ =	sdelay $0x3  }
0x96: {  	_ =	strace s2  }
0x97: {  	_ =	strace $0x8FFFFFFF  }
0x98: {  	s18 =	sld [smem:$0x3FDB];
	_ =	sdelay $0x1  }
0x99: {  	s19 =	simm.s32 $_scs_section_size  }
0x9a: {  	s4 =	simm.s32 $_size__tile_overlayer_lowered;
	s5 =	simm.s32 $_tile_overlayer_lowered  }
0x9b: {  	s22 =	simm.s32 $0x1BFF;
	s21 =	sshll.u32 s5, $0x1;
	s2 =	sadd.s32 s19, s18  }
0x9c: {  	s6 =	simm.s32 $0x0;
	s20 =	sshll.u32 s4, $0x1;
	s4 =	sadd.s32 s21, s2  }
0x9d: {  	[timem:s6], [sflag:s22] =	dma.local [hbm:s4], s20  }
0x9e: {  	_ =	swait.ge [sflag:s22], s20  }
0x9f: {  	s3 =	ssub.s32 $0x0, s20;
	[sflag:s22] =	ssyncset.done $0x0  }
0xa0: {  	[sflag:s22] =	ssyncadd.s32 s3;
	_ =	sdelay $0x1  }
0xa1: {  	s23 =	simm.s32 $0x1B8B  }
0xa2: {  	_ =	swait.ge [sflag:s23], $0x1  }
0xa3: {  	[sflag:s23] =	ssyncset.done $0x0  }
0xa4: {  	s25 =	simm.s32 $0x1B8E;
	s24 =	sld [smem:$0x3FFE];
	[sflag:s23] =	ssyncadd.s32 $0xFFFFFFFF  }
0xa5: {  	s26 =	simm.s32 $execute0_lowered;
	[smem:$0x3FD2] =	sst s25  }
0xa6: {  	s4 =	sshll.u32 s26, $0x1;
	_ =	strace $0x80000046;
	[dreg:$0x1] =	wrdreg $0xFFFFFFFF  }
0xa7: {  	s28 =	simm.s32 $_size_execute0_lowered;
	s2 =	sadd.s32 s2, s4;
	[dreg:$0x0] =	wrdreg $0x0  }
0xa8: {  	s4 =	sshll.u32 s28, $0x1;
	[dreg:$0x2] =	wrdreg s2  }
0xa9: {  	[dreg:$0x3] =	wrdreg s4  }
0xaa: {  	[dreg:$0x4] =	wrdreg $0xC0  }
0xab: {  	_ =	task [dreg:s6], $0x5FFFF  }
0xac: {  	[dreg:$0x1] =	wrdreg $0xFFFFFFFF  }
0xad: {  	[dreg:$0x0] =	wrdreg $0x60  }
0xae: {  	[dreg:$0x2] =	wrdreg s24  }
0xaf: {  	[dreg:$0x3] =	wrdreg $0x9  }
0xb0: {  	_ =	task.clear_ibuf [dreg:s6], $0x4FFFF;
	_ =	strace $0x90000046  }
0xb1: {  	s29 =	simm.s32 $0x9;
	_ =	strace $0x80000048  }
0xb2: {  	_ =	swait.ge [sflag:s29], $0x1  }
0xb3: {  	[sflag:s29] =	ssyncadd.s32 $0xFFFFFFFF  }
0xb4: {  	_ =	strace $0x90000048  }
0xb5: {  	_ =	sfence  }
0xb6: {  	s30 =	sld [smem:$0x0];
	_ =	sdelay $0x2  }
0xb7: {  	s31 =	sshll.u32 s1, $0xD;
	s1 =	sshrl.u32 s1, $0x2  }
0xb8: {  	s3 =	sand.u32 $0x4000, s31;
	s1 =	sadd.s32 s1, s30  }
0xb9: {  	s0 =	sor.u32 s3, s0;
	s1 =	sshll.u32 s1, $0x11  }
0xba: {  	s0 =	sor.u32 s1, s0  }
0xbb: {  	s0 =	sadd.s32 $0x8F2B, s0  }
0xbc: {  	[sflag:s0] =	ssyncadd.remote.s32 $0x1  }
0xbd: {  	_ =	sfence.sel $0xFFFF  }
0xbe: {  	[dreg:$0x0] =	wrdreg $0xFFFFFFFF;
	(pc) =	sbr.abs _section_cstart, $3  }
0xbf: {  	[dreg:$0x1] =	wrdreg $0xFFFFFFFF  }
0xc0: {  	_ =	task.clear_ibuf [dreg:s6], $0x2FFFF;
	_ =	strace $0x9FFFFFFF  }
0xc1: {  	(tm) =	ssettm $0x7FFFFFFF  }
tec
execute0_lowered:
.L_overlay_start_1:
0x0: {  	(tag) =	ssettag $0x1  }
0x1: {  	s1 =	srdreg.scid;
	s0 =	stileid.u32  }
0x2: {  	s4 =	rddreg [dreg:$0x0];
	s3 =	sand.u32 $0x1, s1;
	s30 =	sshll.u32 s0, $0x1  }
0x3: {  	s2 =	simm.s32 $0x0;
	s8 =	simm.s32 $0x0;
	s5 =	sor.u32 s3, s30  }
0x4: {  	s1 =	rddreg [dreg:$0x1];
	s3 =	ssub.s32 $0x2, s3;
	s6 =	smul.u32 $0x180, s5  }
0x5: {  	[smem:$0x7FF] =	sst s2;
	s5 =	smul.u32 $0x4F0, s5;
	s7 =	sshrl.u32 s3, $0x1  }
0x6: {  	_ =	strace $0x80000047;
	s31 =	ssub.s32 s3, s7;
	s7 =	simm.s32 $0xC00  }
0x7: {  	s6 =	sadd.s32 s6, s4;
	s4 =	sadd.s32 s5, s4;
	s5 =	smax.u32 s31, $0x1  }
0x8: {  	v0 =	vimm.f32 $0.0e+00;
	v1 =	vimm.f32 $1.000000000e+00;
	s3 =	sadd.s32 $0x7A00, s6;
	s4 =	sadd.s32 $0xAA00, s4;
	s6 =	simm.s32 $0x1  }
.LBB2_1:
0x9: {  	[tilespmem:s2], [sflag:$0x1] =	stream.linear.gather [hbm4b:s3+s2], $0xA00, $0x38;
	[tilespmem:$0x3380] =	vst v63  }
0xa: {  	_ =	swait.ge [sflag:s6], $0xA00  }
0xb: {  	[sflag:s6] =	ssyncset.done $0x0  }
0xc: {  	s9 =	simm.s32 $0x0;
	[sflag:s6] =	ssyncadd.s32 $0xFFFFF600  }
.LBB2_2:
0xd: {  	p0 =	sne.s32 s9, $0x9DC0  }
.Ltmp0:
0xe: {  	_ = 	snop;
	(pc) =	sbr.rel @p0 .LBB2_2-.Ltmp0, $3  }
0xf: {  	_ =	sdelay $0x1  }
0x10: {  	s10 =	sshra.s32 s9, $0x2  }
0x11: {  	s9 =	sadd.s32 $0x40, s9;
	[tilespmem:s10+$0xC00] =	vst v0  }
0x12: {  	s9 =	simm.s32 $0x0  }
0x13: {  	s10 =	sand.u32 $0x3E00, s9  }
0x14: {  	s9 =	sand.u32 $0x70, s9;
	s10 =	sshrl.u32 s10, $0x2  }
0x15: {  	s9 =	sor.u32 s9, s10  }
0x16: {  	v2 =	vld [tilespmem:s9+$0x0];
	_ =	sdelay $0x4  }
0x17: {  	s11 =	simm.s32 $0x40  }
0x18: {  	s11 =	sand.u32 $0x3E00, s11;
	s10 =	simm.s32 $0x80;
	s9 =	simm.s32 $0x10  }
.LBB2_4:
0x19: {  	p0 =	sne.s32 s10, $0x27C0;
	s12 =	sand.u32 $0x70, s9;
	s11 =	sshrl.u32 s11, $0x2  }
0x1a: {  	s11 =	sor.u32 s12, s11;
	[tilespmem:v2+s7+$0x0] =	vst.idx.add.f32.msk $0xffff, v1  }
0x1b: {  	v2 =	vld [tilespmem:s11+$0x0];
	_ =	sdelay $0x1  }
.Ltmp1:
0x1c: {  	(pc) =	sbr.rel @p0 .LBB2_4-.Ltmp1, $2  }
0x1d: {  	_ =	sdelay $0x2  }
0x1e: {  	s9 =	sadd.s32 $0x10, s9;
	s11 =	sand.u32 $0x3E00, s10;
	s10 =	sadd.s32 $0x40, s10  }
0x1f: {  	_ =	sdelay $0x2  }
0x20: {  	s9 =	sand.u32 $0x70, s9;
	s10 =	sshrl.u32 s11, $0x2  }
0x21: {  	[tilespmem:v2+s7+$0x0] =	vst.idx.add.f32.msk $0xffff, v1;
	s9 =	sor.u32 s9, s10  }
0x22: {  	v2 =	vld [tilespmem:s9+$0x0];
	_ =	sdelay $0x5  }
0x23: {  	s8 =	sadd.s32 $0x1, s8  }
0x24: {  	p0 =	sne.s32 s8, s5  }
.Ltmp2:
0x25: {  	[tilespmem:v2+s7+$0x0] =	vst.idx.add.f32.msk $0xffff, v1;
	(pc) =	sbr.rel @p0 .LBB2_1-.Ltmp2, $4  }
0x26: {  	[hbm4b:s4+s2] =	stream.linear.scatter [tilespmem:s7], [sflag:$0x1], $0x2780, $0x38;
	[tilespmem:$0x3380] =	vst v63  }
0x27: {  	_ =	swait.ge [sflag:s6], $0x2780  }
0x28: {  	[sflag:s6] =	ssyncset.done $0x0  }
0x29: {  	[sflag:s6] =	ssyncadd.s32 $0xFFFFD880  }
0x2a: {  	_ =	sfence.sel $0x180000  }
0x2b: {  	[bflag:$0x0] =	sbarrier.arrive $0xFFFF  }
0x2c: {  	p0 =	sne.s32 s0, $0x0;
	_ =	strace $0x90000047  }
0x2d: {  	s0 =	sadd.s32 @!p0 $0x100000, s1;
	[bflag:$0x2] =	sbarrier.arrive $0xFFFF  }
0x2e: {  	[sflag:s0] =	ssyncadd.tile.s32 @!p0 $0x1;
	_ =	shalt  }
.Lfunc_end2:
_tile_overlayer_lowered:
.L_overlay_start_2:
0x2f: {  	(tag) =	ssettag $0x2  }
0x30: {  	s0 =	rddreg [dreg:$0x0];
	s2 =	stileid.u32  }
0x31: {  	s1 =	rddreg [dreg:$0x1];
	p0 =	sne.s32 s2, $0x0  }
0x32: {  	s3 =	rddreg [dreg:$0x2];
	[bflag:$0x3] =	sbarrier.arrive $0xFFFF;
	s2 =	simm.s32 @!p0 $0x1C01  }
0x33: {  	[timem:s3], [sflag:s2] =	dma.local @!p0 [hbm:s0], s1  }
0x34: {  	s0 =	simm.s32 @!p0 $0x1  }
0x35: {  	_ =	swait.ge @!p0 [sflag:s0], s1  }
0x36: {  	s1 =	ssub.s32 @!p0 $0x0, s1;
	[sflag:s0] =	ssyncset.done @!p0 $0x0  }
0x37: {  	[sflag:s0] =	ssyncadd.s32 @!p0 s1  }
0x38: {  	[bflag:$0x3] =	sbarrier.arrive $0xFFFF  }
0x39: {  	_ =	shalt  }

// kernel: kernel.17.cloned.1.call-start
scs
__scs_entry_jumppad:
0x0: {  	(pc) =	sbr.rel $0x88, $3  }
0x1: {  	(tag) =	ssettag $0x0;
	lr =	simm.s32 $0x1  }
0x2: {  	[smem:$0x3F89] =	sst lr;
	_ =	strace $0xD0000000  }
0x3: {  	_ = 	snop  }
0x4: {  	_ = 	snop  }
0x5: {  	_ = 	snop  }
0x6: {  	_ = 	snop  }
0x7: {  	_ = 	snop  }
__scs_overlays_trampoline_lowered:
0x8: {  	[smem:$0x3F98] =	sst s0  }
0x9: {  	[smem:$0x3F99] =	sst s1  }
0xa: {  	[smem:$0x3F9A] =	sst s2  }
0xb: {  	[smem:$0x3F9B] =	sst s3  }
0xc: {  	[smem:$0x3F9C] =	sst s4  }
0xd: {  	[smem:$0x3F9D] =	sst s5  }
0xe: {  	[smem:$0x3F9E] =	sst s6  }
0xf: {  	[smem:$0x3F9F] =	sst s7  }
0x10: {  	[smem:$0x3FA0] =	sst s8  }
0x11: {  	[smem:$0x3FA1] =	sst s9;
	s0 =	simm.s32 @!p0 $0x0  }
0x12: {  	s1 =	sld [smem:$0x3F87];
	s0 =	simm.s32 @p0 $0x1  }
0x13: {  	[smem:$0x3FA2] =	sst s0;
	s0 =	simm.s32 @!p1 $0x0  }
0x14: {  	s2 =	sld [smem:$0x3F86];
	s0 =	simm.s32 @p1 $0x1  }
0x15: {  	[smem:$0x3FA3] =	sst s0;
	s0 =	simm.s32 @!p2 $0x0  }
0x16: {  	s3 =	sld [smem:$0x3FDB];
	s0 =	simm.s32 @p2 $0x1  }
0x17: {  	s4 =	simm.s32 $0x1BF5;
	[smem:$0x3FA5] =	sst s0  }
0x18: {  	s0 =	sld [smem:$0x3F88];
	_ =	swait.ge [sflag:s4], $0x0  }
0x19: {  	s7 =	sld [smem:$0x3F89]  }
0x1a: {  	s8 =	sadd.s32 $0xFFFFE003, lr  }
0x1b: {  	s9 =	sadd.s32 $0xFFFFFEF7, lr;
	s5 =	simm.s32 $0xFFFFFFFF;
	p2 =	slt.u32 s8, $0xFFFFF086  }
0x1c: {  	p1 =	slt.u32 s9, $0xF7A;
	s5 =	simm.s32 @!p2 $0x0  }
0x1d: {  	s5 =	simm.s32 @p1 $0x1;
	p0 =	seq.s32 s7, s2  }
0x1e: {  	s7 =	smul.u32 @!p0 $0xF7A, s2;
	p2 =	seq.s32 @!p0 s5, $0x0  }
0x1f: {  	s9 =	smul.u32 $0xF7A, s1;
	s8 =	simm.s32 @!p0 $0x1BF5;
	p2 =	por !p2, p0  }
0x20: {  	[sflag:s8] =	ssyncset.s32 @!p0 $0xFFFFF086;
	s6 =	sadd.s32 @!p0 s3, s7;
	s7 =	simm.s32 @!p0 $0x108  }
0x21: {  	s3 =	sadd.s32 s3, s9;
	s6 =	sadd.s32 @!p0 $0x88, s6;
	s7 =	simm.s32 @p2 $0x1082  }
0x22: {  	[simem:s7], [sflag:s8] =	dma.local @!p0 [hbm:s6], $0xF7A  }
0x23: {  	s9 =	sor.u32 $0xD0000000, s2;
	s6 =	simm.s32 $0x108;
	_ =	swait.ge @!p0 [sflag:s8], $0x0  }
0x24: {  	s3 =	sadd.s32 $0x88, s3;
	s6 =	simm.s32 @!p1 $0x1082;
	[sflag:s4] =	ssyncset.s32 $0xFFFFF086  }
0x25: {  	[simem:s6], [sflag:s4] =	dma.local [hbm:s3], $0xF7A  }
0x26: {  	[smem:$0x3F89] =	sst s1;
	(tag) =	ssettag s2;
	_ =	strace s9  }
0x27: {  	s1 =	sld [smem:$0x3F99]  }
0x28: {  	s2 =	sld [smem:$0x3F9A]  }
0x29: {  	s4 =	sld [smem:$0x3F9C]  }
0x2a: {  	p0 =	seq.s32 s5, $0x0;
	s5 =	sld [smem:$0x3F9D]  }
0x2b: {  	s6 =	sld [smem:$0x3F9E]  }
0x2c: {  	s7 =	sld [smem:$0x3F9F]  }
0x2d: {  	s3 =	simm.s32 $0x108;
	s8 =	sld [smem:$0x3FA0]  }
0x2e: {  	s3 =	simm.s32 @!p0 $0x1082;
	s9 =	sld [smem:$0x3FA1]  }
0x2f: {  	lr =	sadd.s32 s0, s3;
	s0 =	sld [smem:$0x3F98]  }
0x30: {  	s3 =	sld [smem:$0x3F9B]  }
0x31: {  	[smem:$0x3FA4] =	sst s10  }
0x32: {  	s10 =	sld [smem:$0x3FA2];
	_ =	sdelay $0x3  }
0x33: {  	p0 =	seq.s32 s10, $0x1;
	s10 =	sld [smem:$0x3FA4];
	_ =	sdelay $0x3  }
0x34: {  	[smem:$0x3FA4] =	sst s10  }
0x35: {  	s10 =	sld [smem:$0x3FA3];
	_ =	sdelay $0x3  }
0x36: {  	p1 =	seq.s32 s10, $0x1;
	s10 =	sld [smem:$0x3FA4];
	_ =	sdelay $0x3  }
0x37: {  	[smem:$0x3FA4] =	sst s10  }
0x38: {  	s10 =	sld [smem:$0x3FA5]  }
0x39: {  	_ = 	snop;
	(pc) =	sbr.ind lr, $3  }
0x3a: {  	_ = 	snop  }
0x3b: {  	_ = 	snop  }
0x3c: {  	p2 =	seq.s32 s10, $0x1;
	s10 =	sld [smem:$0x3FA4]  }
0x3d: {  	_ =	shalt  }
0x3e: {  	_ =	shalt  }
0x3f: {  	_ =	shalt  }
0x40: {  	_ =	shalt  }
0x41: {  	_ =	shalt  }
0x42: {  	_ =	shalt  }
0x43: {  	_ =	shalt  }
0x44: {  	_ =	shalt  }
0x45: {  	_ =	shalt  }
0x46: {  	_ =	shalt  }
0x47: {  	_ =	shalt  }
0x48: {  	_ =	shalt  }
0x49: {  	_ =	shalt  }
0x4a: {  	_ =	shalt  }
0x4b: {  	_ =	shalt  }
0x4c: {  	_ =	shalt  }
0x4d: {  	_ =	shalt  }
0x4e: {  	_ =	shalt  }
0x4f: {  	_ =	shalt  }
0x50: {  	_ =	shalt  }
0x51: {  	_ =	shalt  }
0x52: {  	_ =	shalt  }
0x53: {  	_ =	shalt  }
0x54: {  	_ =	shalt  }
0x55: {  	_ =	shalt  }
0x56: {  	_ =	shalt  }
0x57: {  	_ =	shalt  }
0x58: {  	_ =	shalt  }
0x59: {  	_ =	shalt  }
0x5a: {  	_ =	shalt  }
0x5b: {  	_ =	shalt  }
0x5c: {  	_ =	shalt  }
0x5d: {  	_ =	shalt  }
0x5e: {  	_ =	shalt  }
0x5f: {  	_ =	shalt  }
0x60: {  	_ =	shalt  }
0x61: {  	_ =	shalt  }
0x62: {  	_ =	shalt  }
0x63: {  	_ =	shalt  }
0x64: {  	_ =	shalt  }
0x65: {  	_ =	shalt  }
0x66: {  	_ =	shalt  }
0x67: {  	_ =	shalt  }
0x68: {  	_ =	shalt  }
0x69: {  	_ =	shalt  }
0x6a: {  	_ =	shalt  }
0x6b: {  	_ =	shalt  }
0x6c: {  	_ =	shalt  }
0x6d: {  	_ =	shalt  }
0x6e: {  	_ =	shalt  }
0x6f: {  	_ =	shalt  }
0x70: {  	_ =	shalt  }
0x71: {  	_ =	shalt  }
0x72: {  	_ =	shalt  }
0x73: {  	_ =	shalt  }
0x74: {  	_ =	shalt  }
0x75: {  	_ =	shalt  }
0x76: {  	_ =	shalt  }
0x77: {  	_ =	shalt  }
0x78: {  	_ =	shalt  }
0x79: {  	_ =	shalt  }
0x7a: {  	_ =	shalt  }
0x7b: {  	_ =	shalt  }
0x7c: {  	_ =	shalt  }
0x7d: {  	_ =	shalt  }
0x7e: {  	_ =	shalt  }
0x7f: {  	_ =	shalt  }
0x80: {  	_ =	shalt  }
0x81: {  	_ =	shalt  }
0x82: {  	_ =	shalt  }
0x83: {  	_ =	shalt  }
0x84: {  	_ =	shalt  }
0x85: {  	_ =	shalt  }
0x86: {  	_ =	shalt  }
0x87: {  	_ =	shalt  }
.Lfunc_end0:
.L_simem_size_0:
called_computation.1_lowered:
.L_overlay_start_0:
0x88: {  	s2 =	sld [smem:$0x3FD9]  }
0x89: {  	s3 =	sld [smem:$0x3FFE];
	_ =	sdelay $0x1  }
0x8a: {  	s1 =	srdreg.scid  }
0x8b: {  	s0 =	sand.u32 $0x1, s1  }
0x8c: {  	s16 =	sshll.u32 s0, $0xA;
	s2 =	sadd.s32 s3, s2  }
0x8d: {  	s2 =	sadd.s32 s2, s16  }
0x8e: {  	[smem:$0x3FB0] =	sst s2  }
0x8f: {  	_ = 	snop  }
0x90: {  	(tm) =	ssettm $0x1  }
0x91: {  	s17 =	sld [smem:$0x3FFB];
	_ =	sdelay $0x3  }
0x92: {  	_ =	strace s17  }
0x93: {  	s2 =	sld [smem:$0x3FFC];
	_ =	sdelay $0x3  }
0x94: {  	_ =	strace s2  }
0x95: {  	s2 =	sld [smem:$0x3FFD];
	_ =	sdelay $0x3  }
0x96: {  	_ =	strace s2  }
0x97: {  	_ =	strace $0x8FFFFFFF  }
0x98: {  	s18 =	sld [smem:$0x3FDB];
	_ =	sdelay $0x1  }
0x99: {  	s19 =	simm.s32 $_scs_section_size  }
0x9a: {  	s4 =	simm.s32 $_size__tile_overlayer_lowered;
	s5 =	simm.s32 $_tile_overlayer_lowered  }
0x9b: {  	s22 =	simm.s32 $0x1BFF;
	s21 =	sshll.u32 s5, $0x1;
	s2 =	sadd.s32 s19, s18  }
0x9c: {  	s6 =	simm.s32 $0x0;
	s20 =	sshll.u32 s4, $0x1;
	s4 =	sadd.s32 s21, s2  }
0x9d: {  	[timem:s6], [sflag:s22] =	dma.local [hbm:s4], s20  }
0x9e: {  	_ =	swait.ge [sflag:s22], s20  }
0x9f: {  	s3 =	ssub.s32 $0x0, s20;
	[sflag:s22] =	ssyncset.done $0x0  }
0xa0: {  	[sflag:s22] =	ssyncadd.s32 s3;
	_ =	sdelay $0x1  }
0xa1: {  	s23 =	simm.s32 $0x1B8B  }
0xa2: {  	_ =	swait.ge [sflag:s23], $0x1  }
0xa3: {  	[sflag:s23] =	ssyncset.done $0x0  }
0xa4: {  	s25 =	simm.s32 $0x1B8E;
	s24 =	sld [smem:$0x3FFE];
	[sflag:s23] =	ssyncadd.s32 $0xFFFFFFFF  }
0xa5: {  	s26 =	simm.s32 $execute0_lowered;
	[smem:$0x3FD2] =	sst s25  }
0xa6: {  	s4 =	sshll.u32 s26, $0x1;
	_ =	strace $0x80000049;
	[dreg:$0x1] =	wrdreg $0xFFFFFFFF  }
0xa7: {  	s28 =	simm.s32 $_size_execute0_lowered;
	s2 =	sadd.s32 s2, s4;
	[dreg:$0x0] =	wrdreg $0x0  }
0xa8: {  	s4 =	sshll.u32 s28, $0x1;
	[dreg:$0x2] =	wrdreg s2  }
0xa9: {  	[dreg:$0x3] =	wrdreg s4  }
0xaa: {  	[dreg:$0x4] =	wrdreg $0xC0  }
0xab: {  	_ =	task [dreg:s6], $0x5FFFF  }
0xac: {  	[dreg:$0x1] =	wrdreg $0xFFFFFFFF  }
0xad: {  	[dreg:$0x0] =	wrdreg $0x60  }
0xae: {  	[dreg:$0x2] =	wrdreg s24  }
0xaf: {  	[dreg:$0x3] =	wrdreg $0x68000  }
0xb0: {  	[dreg:$0x4] =	wrdreg $0x9  }
0xb1: {  	_ =	task.clear_ibuf [dreg:s6], $0x5FFFF;
	_ =	strace $0x90000049  }
0xb2: {  	s29 =	simm.s32 $0x9;
	_ =	strace $0x8000004B  }
0xb3: {  	_ =	swait.ge [sflag:s29], $0x1  }
0xb4: {  	[sflag:s29] =	ssyncadd.s32 $0xFFFFFFFF  }
0xb5: {  	_ =	strace $0x9000004B  }
0xb6: {  	_ =	sfence  }
0xb7: {  	s30 =	sld [smem:$0x0];
	_ =	sdelay $0x2  }
0xb8: {  	s31 =	sshll.u32 s1, $0xD;
	s1 =	sshrl.u32 s1, $0x2  }
0xb9: {  	s3 =	sand.u32 $0x4000, s31;
	s1 =	sadd.s32 s1, s30  }
0xba: {  	s0 =	sor.u32 s3, s0;
	s1 =	sshll.u32 s1, $0x11  }
0xbb: {  	s0 =	sor.u32 s1, s0  }
0xbc: {  	s0 =	sadd.s32 $0x8F2B, s0  }
0xbd: {  	[sflag:s0] =	ssyncadd.remote.s32 $0x1  }
0xbe: {  	_ =	sfence.sel $0xFFFF  }
0xbf: {  	[dreg:$0x0] =	wrdreg $0xFFFFFFFF;
	(pc) =	sbr.abs _section_cstart, $3  }
0xc0: {  	[dreg:$0x1] =	wrdreg $0xFFFFFFFF  }
0xc1: {  	_ =	task.clear_ibuf [dreg:s6], $0x2FFFF;
	_ =	strace $0x9FFFFFFF  }
0xc2: {  	(tm) =	ssettm $0x7FFFFFFF  }
0xc3: {  	_ =	shalt  }
tec
execute0_lowered:
.L_overlay_start_1:
0x0: {  	(tag) =	ssettag $0x1  }
0x1: {  	s5 =	rddreg [dreg:$0x0]  }
0x2: {  	s2 =	rddreg [dreg:$0x1]  }
0x3: {  	s0 =	rddreg [dreg:$0x2];
	s1 =	stileid.u32  }
0x4: {  	s4 =	srdreg.scid;
	s3 =	simm.s32 $0x0;
	s15 =	simm.s32 $0x2  }
0x5: {  	s16 =	simm.s32 $0x2800;
	s18 =	simm.s32 $0x1;
	s6 =	smul.u32 $0x280, s1  }
0x6: {  	s19 =	simm.s32 $0x0;
	s7 =	sand.u32 $0x1, s4;
	s8 =	smul.u32 $0x27800, s1  }
0x7: {  	[smem:$0x7FF] =	sst s3;
	s4 =	sadd.s32 $0xB3400, s5;
	s12 =	smul.u32 $0x4F000, s1  }
0x8: {  	s9 =	smul.u32 $0x278000, s7;
	_ =	strace $0x8000004A;
	s10 =	ssub.s32 $0x2, s7  }
0x9: {  	s17 =	smul.u32 $0x2780, s7;
	s6 =	sadd.s32 s6, s5;
	s11 =	sshrl.u32 s10, $0x1  }
0xa: {  	s30 =	sshrl.u32 s12, $0x2;
	s9 =	sadd.s32 s8, s9;
	s14 =	ssub.s32 s10, s11  }
0xb: {  	s8 =	sshrl.u32 s8, $0x1;
	s31 =	sadd.s32 s30, s2;
	v0 =	vmov s17;
	s17 =	simm.s32 $0x80  }
0xc: {  	s9 =	sshrl.u32 s9, $0x4;
	s7 =	sadd.s32 s8, s2;
	s8 =	sadd.s32 $0x4000, s31  }
0xd: {  	s10 =	sadd.s32 $0xC000, s31;
	s11 =	sadd.s32 $0x10000, s31;
	s13 =	sadd.s32 s9, s5  }
0xe: {  	s5 =	sadd.s32 $0x14800, s6;
	s6 =	sadd.s32 $0x5200, s6;
	s9 =	sadd.s32 $0x8000, s31  }
0xf: {  	v1 =	vimm.bf16 $0.0e+00;
	s12 =	sadd.s32 $0x102400, s13;
	s13 =	smax.u32 s14, $0x1;
	s14 =	simm.s32 $0x1400  }
.LBB2_1:
0x10: {  	[tilespmem:s14], [sflag:$0x2] =	stream.linear.gather [hbm4b:s5+s3], $0x1400, $0x38;
	[tilespmem:$0x1A400] =	vst v63  }
0x11: {  	_ =	swait.ge [sflag:s15], $0x1400  }
0x12: {  	[sflag:s15] =	ssyncset.done $0x0  }
0x13: {  	[sflag:s15] =	ssyncadd.s32 $0xFFFFEC00  }
0x14: {  	[tilespmem:s3], [sflag:$0x2] =	stream.linear.gather [hbm4b:s6+s3], $0x1400, $0x38;
	[tilespmem:$0x1A400] =	vst v63  }
0x15: {  	s20 =	sand.u32 $0x7E00, s3;
	_ =	swait.ge [sflag:s15], $0x1400  }
0x16: {  	s21 =	sand.u32 $0x70, s3;
	s20 =	sshrl.u32 s20, $0x2;
	[sflag:s15] =	ssyncset.done $0x0  }
0x17: {  	s20 =	sor.u32 s21, s20;
	[sflag:s15] =	ssyncadd.s32 $0xFFFFEC00  }
0x18: {  	v2 =	vld [tilespmem:s20+$0x1400];
	_ =	sdelay $0x2  }
0x19: {  	s22 =	simm.s32 $0x40  }
0x1a: {  	s23 =	sand.u32 $0x7E00, s22;
	s22 =	simm.s32 $0x80;
	s21 =	simm.s32 $0x10  }
.LBB2_2:
0x1b: {  	p0 =	sne.s32 s22, $0x4FC0;
	s24 =	sand.u32 $0x70, s21;
	s23 =	sshrl.u32 s23, $0x2;
	v2 =	vadd.s32 v0, v2  }
0x1c: {  	[tilespmem:s20+$0x1400] =	vst v2;
	s20 =	sor.u32 s24, s23  }
.Ltmp0:
0x1d: {  	v2 =	vld [tilespmem:s20+$0x1400];
	(pc) =	sbr.rel @p0 .LBB2_2-.Ltmp0, $2  }
0x1e: {  	_ =	sdelay $0x2  }
0x1f: {  	s21 =	sadd.s32 $0x10, s21;
	s23 =	sand.u32 $0x7E00, s22;
	s22 =	sadd.s32 $0x40, s22  }
0x20: {  	s21 =	sand.u32 $0x70, s21;
	s22 =	sshrl.u32 s23, $0x2;
	v2 =	vadd.s32 v0, v2  }
0x21: {  	s21 =	sor.u32 s21, s22;
	[tilespmem:s20+$0x1400] =	vst v2  }
0x22: {  	v2 =	vld [tilespmem:s21+$0x1400];
	_ =	sdelay $0x2  }
0x23: {  	s20 =	simm.s32 $0x0  }
0x24: {  	s30 =	sand.u32 $0xFE00, s20;
	s31 =	sand.u32 $0xE0, s20  }
0x25: {  	s22 =	sshrl.u32 s30, $0x2;
	s23 =	sshrl.u32 s31, $0x1;
	v2 =	vadd.s32 v0, v2  }
0x26: {  	s22 =	sor.u32 s22, s23;
	[tilespmem:s21+$0x1400] =	vst v2  }
0x27: {  	s21 =	simm.s32 $0x40;
	[tilespmem:s22+$0x2800] =	vst v1  }
.LBB2_4:
0x28: {  	p0 =	sne.s32 s21, $0xFFC0  }
.Ltmp1:
0x29: {  	s22 =	sand.u32 $0xFE00, s21;
	s20 =	sadd.s32 $0x20, s20;
	(pc) =	sbr.rel @p0 .LBB2_4-.Ltmp1, $4  }
0x2a: {  	s21 =	sadd.s32 $0x40, s21;
	s23 =	sand.u32 $0xE0, s20  }
0x2b: {  	s22 =	sshrl.u32 s22, $0x2;
	s23 =	sshrl.u32 s23, $0x1  }
0x2c: {  	s22 =	sor.u32 s22, s23  }
0x2d: {  	[tilespmem:s22+$0x2800] =	vst v1  }
0x2e: {  	[spmem:s7] =	stream.linear.scatter [tilespmem:s16], [sflag:$0x2], $0x4000, $0x38;
	[tilespmem:$0x1A400] =	vst v63  }
0x2f: {  	_ =	swait.ge [sflag:s15], $0x4000  }
0x30: {  	[sflag:s15] =	ssyncset.done $0x0  }
0x31: {  	[sflag:s15] =	ssyncadd.s32 $0xFFFFC000  }
0x32: {  	[spmem:s8] =	stream.linear.scatter [tilespmem:s16], [sflag:$0x2], $0x4000, $0x38;
	[tilespmem:$0x1A400] =	vst v63  }
0x33: {  	_ =	swait.ge [sflag:s15], $0x4000  }
0x34: {  	[sflag:s15] =	ssyncset.done $0x0  }
0x35: {  	[sflag:s15] =	ssyncadd.s32 $0xFFFFC000  }
0x36: {  	[spmem:s9] =	stream.linear.scatter [tilespmem:s16], [sflag:$0x2], $0x4000, $0x38;
	[tilespmem:$0x1A400] =	vst v63  }
0x37: {  	_ =	swait.ge [sflag:s15], $0x4000  }
0x38: {  	[sflag:s15] =	ssyncset.done $0x0  }
0x39: {  	[sflag:s15] =	ssyncadd.s32 $0xFFFFC000  }
0x3a: {  	[spmem:s10] =	stream.linear.scatter [tilespmem:s16], [sflag:$0x2], $0x4000, $0x38;
	[tilespmem:$0x1A400] =	vst v63  }
0x3b: {  	_ =	swait.ge [sflag:s15], $0x4000  }
0x3c: {  	[sflag:s15] =	ssyncset.done $0x0  }
0x3d: {  	[sflag:s15] =	ssyncadd.s32 $0xFFFFC000  }
0x3e: {  	[spmem:s11] =	stream.linear.scatter [tilespmem:s16], [sflag:$0x2], $0x3C00, $0x38;
	[tilespmem:$0x1A400] =	vst v63  }
0x3f: {  	_ =	swait.ge [sflag:s15], $0x3C00  }
0x40: {  	[sflag:s15] =	ssyncset.done $0x0  }
0x41: {  	[sflag:s15] =	ssyncadd.s32 $0xFFFFC400  }
0x42: {  	s20 =	simm.s32 $0x1400;
	[bflag:$0x0] =	sbarrier.arrive $0xFFFF  }
0x43: {  	[tilespmem:s16], [sflag:$0x1] =	stream.indirect.gather [hbm4b:s4+s17], $0x80, s20, s17, $0xb8;
	[tilespmem:$0x1A400] =	vst v63  }
0x44: {  	_ =	swait.ge [sflag:s18], $0x4000  }
0x45: {  	[sflag:s18] =	ssyncset.done $0x0  }
0x46: {  	s31 =	simm.s32 $0x0;
	[sflag:s18] =	ssyncadd.s32 $0xFFFFC000  }
0x47: {  	[spmem:s2] =	stream.indirect.scatter.add.bf16 [tilespmem:s16], [sflag:$0x2], $0x80, s31, s17, $0xb8;
	[tilespmem:$0x1A400] =	vst v63  }
0x48: {  	_ =	swait.ge [sflag:s15], $0x4000  }
0x49: {  	s21 =	simm.s32 $0x400;
	s20 =	simm.s32 $0x80;
	[sflag:s15] =	ssyncset.done $0x0  }
.LBB2_6:
0x4a: {  	s22 =	sadd.s32 $0x1400, s20  }
0x4b: {  	[sflag:s15] =	ssyncadd.s32 $0xFFFFC000;
	s23 =	smov.u32 s21;
	s24 =	sadd.s32 $0x200, s21  }
0x4c: {  	[tilespmem:s16], [sflag:$0x1] =	stream.indirect.gather [hbm4b:s4+s17], $0x80, s22, s17, $0xb8;
	[tilespmem:$0x1A400] =	vst v63  }
0x4d: {  	p0 =	sne.s32 s21, $0x4E00;
	_ =	swait.ge [sflag:s18], $0x4000  }
.Ltmp2:
0x4e: {  	[sflag:s18] =	ssyncset.done $0x0;
	(pc) =	sbr.rel @p0 .LBB2_6-.Ltmp2, $4  }
0x4f: {  	[sflag:s18] =	ssyncadd.s32 $0xFFFFC000  }
0x50: {  	[spmem:s2] =	stream.indirect.scatter.add.bf16 [tilespmem:s16], [sflag:$0x2], $0x80, s20, s17, $0xb8;
	[tilespmem:$0x1A400] =	vst v63  }
0x51: {  	_ =	swait.ge [sflag:s15], $0x4000  }
0x52: {  	s21 =	smov.u32 s24;
	s20 =	sshra.s32 s23, $0x2;
	[sflag:s15] =	ssyncset.done $0x0  }
0x53: {  	s21 =	sadd.s32 $0x1400, s20;
	[sflag:s15] =	ssyncadd.s32 $0xFFFFC000  }
0x54: {  	[tilespmem:s16], [sflag:$0x1] =	stream.indirect.gather [hbm4b:s4+s17], $0x80, s21, s17, $0xb8;
	[tilespmem:$0x1A400] =	vst v63  }
0x55: {  	_ =	swait.ge [sflag:s18], $0x4000  }
0x56: {  	[sflag:s18] =	ssyncset.done $0x0  }
0x57: {  	[sflag:s18] =	ssyncadd.s32 $0xFFFFC000  }
0x58: {  	[spmem:s2] =	stream.indirect.scatter.add.bf16 [tilespmem:s16], [sflag:$0x2], $0x80, s20, s17, $0xb8;
	[tilespmem:$0x1A400] =	vst v63  }
0x59: {  	_ =	swait.ge [sflag:s15], $0x4000  }
0x5a: {  	s30 =	sshll.u32 s1, $0x6;
	s19 =	sadd.s32 $0x1, s19;
	[sflag:s15] =	ssyncset.done $0x0  }
0x5b: {  	s31 =	sshrl.u32 s7, $0x3;
	p0 =	sne.s32 s19, s13;
	[sflag:s15] =	ssyncadd.s32 $0xFFFFC000  }
.Ltmp3:
0x5c: {  	s20 =	sor.u32 $0x1C02, s30;
	[bflag:$0x0] =	sbarrier.arrive $0xFFFF;
	(pc) =	sbr.rel @p0 .LBB2_1-.Ltmp3, $4  }
0x5d: {  	[hbm:s12], [sflag:s20] =	dma.local [spmem:s31], $0x2780  }
0x5e: {  	_ =	swait.ge [sflag:s15], $0x2780  }
0x5f: {  	[sflag:s15] =	ssyncset.done $0x0  }
0x60: {  	[sflag:s15] =	ssyncadd.s32 $0xFFFFD880  }
0x61: {  	_ =	sfence.sel $0x180000  }
0x62: {  	[bflag:$0x0] =	sbarrier.arrive $0xFFFF  }
0x63: {  	p0 =	sne.s32 s1, $0x0;
	_ =	strace $0x9000004A  }
0x64: {  	s0 =	sadd.s32 @!p0 $0x100000, s0;
	[bflag:$0x2] =	sbarrier.arrive $0xFFFF  }
0x65: {  	[sflag:s0] =	ssyncadd.tile.s32 @!p0 $0x1;
	_ =	shalt  }
.Lfunc_end2:
_tile_overlayer_lowered:
.L_overlay_start_2:
0x66: {  	(tag) =	ssettag $0x2  }
0x67: {  	s0 =	rddreg [dreg:$0x0];
	s2 =	stileid.u32  }
0x68: {  	s1 =	rddreg [dreg:$0x1];
	p0 =	sne.s32 s2, $0x0  }
0x69: {  	s3 =	rddreg [dreg:$0x2];
	[bflag:$0x3] =	sbarrier.arrive $0xFFFF;
	s2 =	simm.s32 @!p0 $0x1C02  }
0x6a: {  	[timem:s3], [sflag:s2] =	dma.local @!p0 [hbm:s0], s1  }
0x6b: {  	s0 =	simm.s32 @!p0 $0x2  }
0x6c: {  	_ =	swait.ge @!p0 [sflag:s0], s1  }
0x6d: {  	s1 =	ssub.s32 @!p0 $0x0, s1;
	[sflag:s0] =	ssyncset.done @!p0 $0x0  }
0x6e: {  	[sflag:s0] =	ssyncadd.s32 @!p0 s1  }
0x6f: {  	[bflag:$0x3] =	sbarrier.arrive $0xFFFF  }
0x70: {  	_ =	shalt  }

// kernel: kernel.20.cloned.1.call-start
scs
__scs_entry_jumppad:
0x0: {  	(pc) =	sbr.rel $0x88, $3  }
0x1: {  	(tag) =	ssettag $0x0;
	lr =	simm.s32 $0x1  }
0x2: {  	[smem:$0x3F89] =	sst lr;
	_ =	strace $0xD0000000  }
0x3: {  	_ = 	snop  }
0x4: {  	_ = 	snop  }
0x5: {  	_ = 	snop  }
0x6: {  	_ = 	snop  }
0x7: {  	_ = 	snop  }
__scs_overlays_trampoline_lowered:
0x8: {  	[smem:$0x3F98] =	sst s0  }
0x9: {  	[smem:$0x3F99] =	sst s1  }
0xa: {  	[smem:$0x3F9A] =	sst s2  }
0xb: {  	[smem:$0x3F9B] =	sst s3  }
0xc: {  	[smem:$0x3F9C] =	sst s4  }
0xd: {  	[smem:$0x3F9D] =	sst s5  }
0xe: {  	[smem:$0x3F9E] =	sst s6  }
0xf: {  	[smem:$0x3F9F] =	sst s7  }
0x10: {  	[smem:$0x3FA0] =	sst s8  }
0x11: {  	[smem:$0x3FA1] =	sst s9;
	s0 =	simm.s32 @!p0 $0x0  }
0x12: {  	s1 =	sld [smem:$0x3F87];
	s0 =	simm.s32 @p0 $0x1  }
0x13: {  	[smem:$0x3FA2] =	sst s0;
	s0 =	simm.s32 @!p1 $0x0  }
0x14: {  	s2 =	sld [smem:$0x3F86];
	s0 =	simm.s32 @p1 $0x1  }
0x15: {  	[smem:$0x3FA3] =	sst s0;
	s0 =	simm.s32 @!p2 $0x0  }
0x16: {  	s3 =	sld [smem:$0x3FDB];
	s0 =	simm.s32 @p2 $0x1  }
0x17: {  	s4 =	simm.s32 $0x1BF5;
	[smem:$0x3FA5] =	sst s0  }
0x18: {  	s0 =	sld [smem:$0x3F88];
	_ =	swait.ge [sflag:s4], $0x0  }
0x19: {  	s7 =	sld [smem:$0x3F89]  }
0x1a: {  	s8 =	sadd.s32 $0xFFFFE003, lr  }
0x1b: {  	s9 =	sadd.s32 $0xFFFFFEF7, lr;
	s5 =	simm.s32 $0xFFFFFFFF;
	p2 =	slt.u32 s8, $0xFFFFF086  }
0x1c: {  	p1 =	slt.u32 s9, $0xF7A;
	s5 =	simm.s32 @!p2 $0x0  }
0x1d: {  	s5 =	simm.s32 @p1 $0x1;
	p0 =	seq.s32 s7, s2  }
0x1e: {  	s7 =	smul.u32 @!p0 $0xF7A, s2;
	p2 =	seq.s32 @!p0 s5, $0x0  }
0x1f: {  	s9 =	smul.u32 $0xF7A, s1;
	s8 =	simm.s32 @!p0 $0x1BF5;
	p2 =	por !p2, p0  }
0x20: {  	[sflag:s8] =	ssyncset.s32 @!p0 $0xFFFFF086;
	s6 =	sadd.s32 @!p0 s3, s7;
	s7 =	simm.s32 @!p0 $0x108  }
0x21: {  	s3 =	sadd.s32 s3, s9;
	s6 =	sadd.s32 @!p0 $0x88, s6;
	s7 =	simm.s32 @p2 $0x1082  }
0x22: {  	[simem:s7], [sflag:s8] =	dma.local @!p0 [hbm:s6], $0xF7A  }
0x23: {  	s9 =	sor.u32 $0xD0000000, s2;
	s6 =	simm.s32 $0x108;
	_ =	swait.ge @!p0 [sflag:s8], $0x0  }
0x24: {  	s3 =	sadd.s32 $0x88, s3;
	s6 =	simm.s32 @!p1 $0x1082;
	[sflag:s4] =	ssyncset.s32 $0xFFFFF086  }
0x25: {  	[simem:s6], [sflag:s4] =	dma.local [hbm:s3], $0xF7A  }
0x26: {  	[smem:$0x3F89] =	sst s1;
	(tag) =	ssettag s2;
	_ =	strace s9  }
0x27: {  	s1 =	sld [smem:$0x3F99]  }
0x28: {  	s2 =	sld [smem:$0x3F9A]  }
0x29: {  	s4 =	sld [smem:$0x3F9C]  }
0x2a: {  	p0 =	seq.s32 s5, $0x0;
	s5 =	sld [smem:$0x3F9D]  }
0x2b: {  	s6 =	sld [smem:$0x3F9E]  }
0x2c: {  	s7 =	sld [smem:$0x3F9F]  }
0x2d: {  	s3 =	simm.s32 $0x108;
	s8 =	sld [smem:$0x3FA0]  }
0x2e: {  	s3 =	simm.s32 @!p0 $0x1082;
	s9 =	sld [smem:$0x3FA1]  }
0x2f: {  	lr =	sadd.s32 s0, s3;
	s0 =	sld [smem:$0x3F98]  }
0x30: {  	s3 =	sld [smem:$0x3F9B]  }
0x31: {  	[smem:$0x3FA4] =	sst s10  }
0x32: {  	s10 =	sld [smem:$0x3FA2];
	_ =	sdelay $0x3  }
0x33: {  	p0 =	seq.s32 s10, $0x1;
	s10 =	sld [smem:$0x3FA4];
	_ =	sdelay $0x3  }
0x34: {  	[smem:$0x3FA4] =	sst s10  }
0x35: {  	s10 =	sld [smem:$0x3FA3];
	_ =	sdelay $0x3  }
0x36: {  	p1 =	seq.s32 s10, $0x1;
	s10 =	sld [smem:$0x3FA4];
	_ =	sdelay $0x3  }
0x37: {  	[smem:$0x3FA4] =	sst s10  }
0x38: {  	s10 =	sld [smem:$0x3FA5]  }
0x39: {  	_ = 	snop;
	(pc) =	sbr.ind lr, $3  }
0x3a: {  	_ = 	snop  }
0x3b: {  	_ = 	snop  }
0x3c: {  	p2 =	seq.s32 s10, $0x1;
	s10 =	sld [smem:$0x3FA4]  }
0x3d: {  	_ =	shalt  }
0x3e: {  	_ =	shalt  }
0x3f: {  	_ =	shalt  }
0x40: {  	_ =	shalt  }
0x41: {  	_ =	shalt  }
0x42: {  	_ =	shalt  }
0x43: {  	_ =	shalt  }
0x44: {  	_ =	shalt  }
0x45: {  	_ =	shalt  }
0x46: {  	_ =	shalt  }
0x47: {  	_ =	shalt  }
0x48: {  	_ =	shalt  }
0x49: {  	_ =	shalt  }
0x4a: {  	_ =	shalt  }
0x4b: {  	_ =	shalt  }
0x4c: {  	_ =	shalt  }
0x4d: {  	_ =	shalt  }
0x4e: {  	_ =	shalt  }
0x4f: {  	_ =	shalt  }
0x50: {  	_ =	shalt  }
0x51: {  	_ =	shalt  }
0x52: {  	_ =	shalt  }
0x53: {  	_ =	shalt  }
0x54: {  	_ =	shalt  }
0x55: {  	_ =	shalt  }
0x56: {  	_ =	shalt  }
0x57: {  	_ =	shalt  }
0x58: {  	_ =	shalt  }
0x59: {  	_ =	shalt  }
0x5a: {  	_ =	shalt  }
0x5b: {  	_ =	shalt  }
0x5c: {  	_ =	shalt  }
0x5d: {  	_ =	shalt  }
0x5e: {  	_ =	shalt  }
0x5f: {  	_ =	shalt  }
0x60: {  	_ =	shalt  }
0x61: {  	_ =	shalt  }
0x62: {  	_ =	shalt  }
0x63: {  	_ =	shalt  }
0x64: {  	_ =	shalt  }
0x65: {  	_ =	shalt  }
0x66: {  	_ =	shalt  }
0x67: {  	_ =	shalt  }
0x68: {  	_ =	shalt  }
0x69: {  	_ =	shalt  }
0x6a: {  	_ =	shalt  }
0x6b: {  	_ =	shalt  }
0x6c: {  	_ =	shalt  }
0x6d: {  	_ =	shalt  }
0x6e: {  	_ =	shalt  }
0x6f: {  	_ =	shalt  }
0x70: {  	_ =	shalt  }
0x71: {  	_ =	shalt  }
0x72: {  	_ =	shalt  }
0x73: {  	_ =	shalt  }
0x74: {  	_ =	shalt  }
0x75: {  	_ =	shalt  }
0x76: {  	_ =	shalt  }
0x77: {  	_ =	shalt  }
0x78: {  	_ =	shalt  }
0x79: {  	_ =	shalt  }
0x7a: {  	_ =	shalt  }
0x7b: {  	_ =	shalt  }
0x7c: {  	_ =	shalt  }
0x7d: {  	_ =	shalt  }
0x7e: {  	_ =	shalt  }
0x7f: {  	_ =	shalt  }
0x80: {  	_ =	shalt  }
0x81: {  	_ =	shalt  }
0x82: {  	_ =	shalt  }
0x83: {  	_ =	shalt  }
0x84: {  	_ =	shalt  }
0x85: {  	_ =	shalt  }
0x86: {  	_ =	shalt  }
0x87: {  	_ =	shalt  }
.Lfunc_end0:
.L_simem_size_0:
called_computation.2_lowered:
.L_overlay_start_0:
0x88: {  	s2 =	sld [smem:$0x3FD9]  }
0x89: {  	s3 =	sld [smem:$0x3FFE];
	_ =	sdelay $0x1  }
0x8a: {  	s1 =	srdreg.scid  }
0x8b: {  	s0 =	sand.u32 $0x1, s1  }
0x8c: {  	s16 =	sshll.u32 s0, $0xA;
	s2 =	sadd.s32 s3, s2  }
0x8d: {  	s2 =	sadd.s32 s2, s16  }
0x8e: {  	[smem:$0x3FB0] =	sst s2  }
0x8f: {  	_ = 	snop  }
0x90: {  	(tm) =	ssettm $0x1  }
0x91: {  	s17 =	sld [smem:$0x3FFB];
	_ =	sdelay $0x3  }
0x92: {  	_ =	strace s17  }
0x93: {  	s2 =	sld [smem:$0x3FFC];
	_ =	sdelay $0x3  }
0x94: {  	_ =	strace s2  }
0x95: {  	s2 =	sld [smem:$0x3FFD];
	_ =	sdelay $0x3  }
0x96: {  	_ =	strace s2  }
0x97: {  	_ =	strace $0x8FFFFFFF  }
0x98: {  	s18 =	sld [smem:$0x3FDB];
	_ =	sdelay $0x1  }
0x99: {  	s19 =	simm.s32 $_scs_section_size  }
0x9a: {  	s4 =	simm.s32 $_size__tile_overlayer_lowered;
	s5 =	simm.s32 $_tile_overlayer_lowered  }
0x9b: {  	s22 =	simm.s32 $0x1BFF;
	s21 =	sshll.u32 s5, $0x1;
	s2 =	sadd.s32 s19, s18  }
0x9c: {  	s6 =	simm.s32 $0x0;
	s20 =	sshll.u32 s4, $0x1;
	s4 =	sadd.s32 s21, s2  }
0x9d: {  	[timem:s6], [sflag:s22] =	dma.local [hbm:s4], s20  }
0x9e: {  	_ =	swait.ge [sflag:s22], s20  }
0x9f: {  	s3 =	ssub.s32 $0x0, s20;
	[sflag:s22] =	ssyncset.done $0x0  }
0xa0: {  	[sflag:s22] =	ssyncadd.s32 s3;
	_ =	sdelay $0x1  }
0xa1: {  	s23 =	simm.s32 $0x1B8B  }
0xa2: {  	_ =	swait.ge [sflag:s23], $0x1  }
0xa3: {  	[sflag:s23] =	ssyncset.done $0x0  }
0xa4: {  	s25 =	simm.s32 $0x1B8E;
	s24 =	sld [smem:$0x3FFE];
	[sflag:s23] =	ssyncadd.s32 $0xFFFFFFFF  }
0xa5: {  	s26 =	simm.s32 $execute0_lowered;
	[smem:$0x3FD2] =	sst s25  }
0xa6: {  	s4 =	sshll.u32 s26, $0x1;
	_ =	strace $0x8000004C;
	[dreg:$0x1] =	wrdreg $0xFFFFFFFF  }
0xa7: {  	s28 =	simm.s32 $_size_execute0_lowered;
	s2 =	sadd.s32 s2, s4;
	[dreg:$0x0] =	wrdreg $0x0  }
0xa8: {  	s4 =	sshll.u32 s28, $0x1;
	[dreg:$0x2] =	wrdreg s2  }
0xa9: {  	[dreg:$0x3] =	wrdreg s4  }
0xaa: {  	[dreg:$0x4] =	wrdreg $0xC0  }
0xab: {  	_ =	task [dreg:s6], $0x5FFFF  }
0xac: {  	[dreg:$0x1] =	wrdreg $0xFFFFFFFF  }
0xad: {  	[dreg:$0x0] =	wrdreg $0x60  }
0xae: {  	[dreg:$0x2] =	wrdreg s24  }
0xaf: {  	[dreg:$0x3] =	wrdreg $0x68000  }
0xb0: {  	[dreg:$0x4] =	wrdreg $0x9  }
0xb1: {  	_ =	task.clear_ibuf [dreg:s6], $0x5FFFF;
	_ =	strace $0x9000004C  }
0xb2: {  	s29 =	simm.s32 $0x9;
	_ =	strace $0x8000004E  }
0xb3: {  	_ =	swait.ge [sflag:s29], $0x1  }
0xb4: {  	[sflag:s29] =	ssyncadd.s32 $0xFFFFFFFF  }
0xb5: {  	_ =	strace $0x9000004E  }
0xb6: {  	_ =	sfence  }
0xb7: {  	s30 =	sld [smem:$0x0];
	_ =	sdelay $0x2  }
0xb8: {  	s31 =	sshll.u32 s1, $0xD;
	s1 =	sshrl.u32 s1, $0x2  }
0xb9: {  	s3 =	sand.u32 $0x4000, s31;
	s1 =	sadd.s32 s1, s30  }
0xba: {  	s0 =	sor.u32 s3, s0;
	s1 =	sshll.u32 s1, $0x11  }
0xbb: {  	s0 =	sor.u32 s1, s0  }
0xbc: {  	s0 =	sadd.s32 $0x8F2B, s0  }
0xbd: {  	[sflag:s0] =	ssyncadd.remote.s32 $0x1  }
0xbe: {  	_ =	sfence.sel $0xFFFF  }
0xbf: {  	[dreg:$0x0] =	wrdreg $0xFFFFFFFF;
	(pc) =	sbr.abs _section_cstart, $3  }
0xc0: {  	[dreg:$0x1] =	wrdreg $0xFFFFFFFF  }
0xc1: {  	_ =	task.clear_ibuf [dreg:s6], $0x2FFFF;
	_ =	strace $0x9FFFFFFF  }
0xc2: {  	(tm) =	ssettm $0x7FFFFFFF  }
0xc3: {  	_ =	shalt  }
tec
execute0_lowered:
.L_overlay_start_1:
0x0: {  	(tag) =	ssettag $0x1  }
0x1: {  	s5 =	rddreg [dreg:$0x0]  }
0x2: {  	s2 =	rddreg [dreg:$0x1]  }
0x3: {  	s0 =	rddreg [dreg:$0x2];
	s1 =	stileid.u32  }
0x4: {  	s4 =	srdreg.scid;
	s3 =	simm.s32 $0x0;
	s15 =	simm.s32 $0x2  }
0x5: {  	s16 =	simm.s32 $0x2800;
	s18 =	simm.s32 $0x1;
	s6 =	smul.u32 $0x280, s1  }
0x6: {  	s19 =	simm.s32 $0x0;
	s7 =	sand.u32 $0x1, s4;
	s8 =	smul.u32 $0x27800, s1  }
0x7: {  	[smem:$0x7FF] =	sst s3;
	s4 =	sadd.s32 $0x17000, s5;
	s12 =	smul.u32 $0x4F000, s1  }
0x8: {  	s9 =	smul.u32 $0x278000, s7;
	_ =	strace $0x8000004D;
	s10 =	ssub.s32 $0x2, s7  }
0x9: {  	s17 =	smul.u32 $0x2780, s7;
	s6 =	sadd.s32 s6, s5;
	s11 =	sshrl.u32 s10, $0x1  }
0xa: {  	s30 =	sshrl.u32 s12, $0x2;
	s9 =	sadd.s32 s8, s9;
	s14 =	ssub.s32 s10, s11  }
0xb: {  	s8 =	sshrl.u32 s8, $0x1;
	s31 =	sadd.s32 s30, s2;
	v0 =	vmov s17;
	s17 =	simm.s32 $0x80  }
0xc: {  	s9 =	sshrl.u32 s9, $0x4;
	s7 =	sadd.s32 s8, s2;
	s8 =	sadd.s32 $0x4000, s31  }
0xd: {  	s10 =	sadd.s32 $0xC000, s31;
	s11 =	sadd.s32 $0x10000, s31;
	s13 =	sadd.s32 s9, s5  }
0xe: {  	s5 =	sadd.s32 $0x14800, s6;
	s6 =	sadd.s32 $0x5200, s6;
	s9 =	sadd.s32 $0x8000, s31  }
0xf: {  	v1 =	vimm.bf16 $0.0e+00;
	s12 =	sadd.s32 $0x66000, s13;
	s13 =	smax.u32 s14, $0x1;
	s14 =	simm.s32 $0x1400  }
.LBB2_1:
0x10: {  	[tilespmem:s14], [sflag:$0x2] =	stream.linear.gather [hbm4b:s5+s3], $0x1400, $0x38;
	[tilespmem:$0x1A400] =	vst v63  }
0x11: {  	_ =	swait.ge [sflag:s15], $0x1400  }
0x12: {  	[sflag:s15] =	ssyncset.done $0x0  }
0x13: {  	[sflag:s15] =	ssyncadd.s32 $0xFFFFEC00  }
0x14: {  	[tilespmem:s3], [sflag:$0x2] =	stream.linear.gather [hbm4b:s6+s3], $0x1400, $0x38;
	[tilespmem:$0x1A400] =	vst v63  }
0x15: {  	s20 =	sand.u32 $0x7E00, s3;
	_ =	swait.ge [sflag:s15], $0x1400  }
0x16: {  	s21 =	sand.u32 $0x70, s3;
	s20 =	sshrl.u32 s20, $0x2;
	[sflag:s15] =	ssyncset.done $0x0  }
0x17: {  	s20 =	sor.u32 s21, s20;
	[sflag:s15] =	ssyncadd.s32 $0xFFFFEC00  }
0x18: {  	v2 =	vld [tilespmem:s20+$0x1400];
	_ =	sdelay $0x2  }
0x19: {  	s22 =	simm.s32 $0x40  }
0x1a: {  	s23 =	sand.u32 $0x7E00, s22;
	s22 =	simm.s32 $0x80;
	s21 =	simm.s32 $0x10  }
.LBB2_2:
0x1b: {  	p0 =	sne.s32 s22, $0x4FC0;
	s24 =	sand.u32 $0x70, s21;
	s23 =	sshrl.u32 s23, $0x2;
	v2 =	vadd.s32 v0, v2  }
0x1c: {  	[tilespmem:s20+$0x1400] =	vst v2;
	s20 =	sor.u32 s24, s23  }
.Ltmp0:
0x1d: {  	v2 =	vld [tilespmem:s20+$0x1400];
	(pc) =	sbr.rel @p0 .LBB2_2-.Ltmp0, $2  }
0x1e: {  	_ =	sdelay $0x2  }
0x1f: {  	s21 =	sadd.s32 $0x10, s21;
	s23 =	sand.u32 $0x7E00, s22;
	s22 =	sadd.s32 $0x40, s22  }
0x20: {  	s21 =	sand.u32 $0x70, s21;
	s22 =	sshrl.u32 s23, $0x2;
	v2 =	vadd.s32 v0, v2  }
0x21: {  	s21 =	sor.u32 s21, s22;
	[tilespmem:s20+$0x1400] =	vst v2  }
0x22: {  	v2 =	vld [tilespmem:s21+$0x1400];
	_ =	sdelay $0x2  }
0x23: {  	s20 =	simm.s32 $0x0  }
0x24: {  	s30 =	sand.u32 $0xFE00, s20;
	s31 =	sand.u32 $0xE0, s20  }
0x25: {  	s22 =	sshrl.u32 s30, $0x2;
	s23 =	sshrl.u32 s31, $0x1;
	v2 =	vadd.s32 v0, v2  }
0x26: {  	s22 =	sor.u32 s22, s23;
	[tilespmem:s21+$0x1400] =	vst v2  }
0x27: {  	s21 =	simm.s32 $0x40;
	[tilespmem:s22+$0x2800] =	vst v1  }
.LBB2_4:
0x28: {  	p0 =	sne.s32 s21, $0xFFC0  }
.Ltmp1:
0x29: {  	s22 =	sand.u32 $0xFE00, s21;
	s20 =	sadd.s32 $0x20, s20;
	(pc) =	sbr.rel @p0 .LBB2_4-.Ltmp1, $4  }
0x2a: {  	s21 =	sadd.s32 $0x40, s21;
	s23 =	sand.u32 $0xE0, s20  }
0x2b: {  	s22 =	sshrl.u32 s22, $0x2;
	s23 =	sshrl.u32 s23, $0x1  }
0x2c: {  	s22 =	sor.u32 s22, s23  }
0x2d: {  	[tilespmem:s22+$0x2800] =	vst v1  }
0x2e: {  	[spmem:s7] =	stream.linear.scatter [tilespmem:s16], [sflag:$0x2], $0x4000, $0x38;
	[tilespmem:$0x1A400] =	vst v63  }
0x2f: {  	_ =	swait.ge [sflag:s15], $0x4000  }
0x30: {  	[sflag:s15] =	ssyncset.done $0x0  }
0x31: {  	[sflag:s15] =	ssyncadd.s32 $0xFFFFC000  }
0x32: {  	[spmem:s8] =	stream.linear.scatter [tilespmem:s16], [sflag:$0x2], $0x4000, $0x38;
	[tilespmem:$0x1A400] =	vst v63  }
0x33: {  	_ =	swait.ge [sflag:s15], $0x4000  }
0x34: {  	[sflag:s15] =	ssyncset.done $0x0  }
0x35: {  	[sflag:s15] =	ssyncadd.s32 $0xFFFFC000  }
0x36: {  	[spmem:s9] =	stream.linear.scatter [tilespmem:s16], [sflag:$0x2], $0x4000, $0x38;
	[tilespmem:$0x1A400] =	vst v63  }
0x37: {  	_ =	swait.ge [sflag:s15], $0x4000  }
0x38: {  	[sflag:s15] =	ssyncset.done $0x0  }
0x39: {  	[sflag:s15] =	ssyncadd.s32 $0xFFFFC000  }
0x3a: {  	[spmem:s10] =	stream.linear.scatter [tilespmem:s16], [sflag:$0x2], $0x4000, $0x38;
	[tilespmem:$0x1A400] =	vst v63  }
0x3b: {  	_ =	swait.ge [sflag:s15], $0x4000  }
0x3c: {  	[sflag:s15] =	ssyncset.done $0x0  }
0x3d: {  	[sflag:s15] =	ssyncadd.s32 $0xFFFFC000  }
0x3e: {  	[spmem:s11] =	stream.linear.scatter [tilespmem:s16], [sflag:$0x2], $0x3C00, $0x38;
	[tilespmem:$0x1A400] =	vst v63  }
0x3f: {  	_ =	swait.ge [sflag:s15], $0x3C00  }
0x40: {  	[sflag:s15] =	ssyncset.done $0x0  }
0x41: {  	[sflag:s15] =	ssyncadd.s32 $0xFFFFC400  }
0x42: {  	s20 =	simm.s32 $0x1400;
	[bflag:$0x0] =	sbarrier.arrive $0xFFFF  }
0x43: {  	[tilespmem:s16], [sflag:$0x1] =	stream.indirect.gather [hbm4b:s4+s17], $0x80, s20, s17, $0xb8;
	[tilespmem:$0x1A400] =	vst v63  }
0x44: {  	_ =	swait.ge [sflag:s18], $0x4000  }
0x45: {  	[sflag:s18] =	ssyncset.done $0x0  }
0x46: {  	s31 =	simm.s32 $0x0;
	[sflag:s18] =	ssyncadd.s32 $0xFFFFC000  }
0x47: {  	[spmem:s2] =	stream.indirect.scatter.add.bf16 [tilespmem:s16], [sflag:$0x2], $0x80, s31, s17, $0xb8;
	[tilespmem:$0x1A400] =	vst v63  }
0x48: {  	_ =	swait.ge [sflag:s15], $0x4000  }
0x49: {  	s21 =	simm.s32 $0x400;
	s20 =	simm.s32 $0x80;
	[sflag:s15] =	ssyncset.done $0x0  }
.LBB2_6:
0x4a: {  	s22 =	sadd.s32 $0x1400, s20  }
0x4b: {  	[sflag:s15] =	ssyncadd.s32 $0xFFFFC000;
	s23 =	smov.u32 s21;
	s24 =	sadd.s32 $0x200, s21  }
0x4c: {  	[tilespmem:s16], [sflag:$0x1] =	stream.indirect.gather [hbm4b:s4+s17], $0x80, s22, s17, $0xb8;
	[tilespmem:$0x1A400] =	vst v63  }
0x4d: {  	p0 =	sne.s32 s21, $0x4E00;
	_ =	swait.ge [sflag:s18], $0x4000  }
.Ltmp2:
0x4e: {  	[sflag:s18] =	ssyncset.done $0x0;
	(pc) =	sbr.rel @p0 .LBB2_6-.Ltmp2, $4  }
0x4f: {  	[sflag:s18] =	ssyncadd.s32 $0xFFFFC000  }
0x50: {  	[spmem:s2] =	stream.indirect.scatter.add.bf16 [tilespmem:s16], [sflag:$0x2], $0x80, s20, s17, $0xb8;
	[tilespmem:$0x1A400] =	vst v63  }
0x51: {  	_ =	swait.ge [sflag:s15], $0x4000  }
0x52: {  	s21 =	smov.u32 s24;
	s20 =	sshra.s32 s23, $0x2;
	[sflag:s15] =	ssyncset.done $0x0  }
0x53: {  	s21 =	sadd.s32 $0x1400, s20;
	[sflag:s15] =	ssyncadd.s32 $0xFFFFC000  }
0x54: {  	[tilespmem:s16], [sflag:$0x1] =	stream.indirect.gather [hbm4b:s4+s17], $0x80, s21, s17, $0xb8;
	[tilespmem:$0x1A400] =	vst v63  }
0x55: {  	_ =	swait.ge [sflag:s18], $0x4000  }
0x56: {  	[sflag:s18] =	ssyncset.done $0x0  }
0x57: {  	[sflag:s18] =	ssyncadd.s32 $0xFFFFC000  }
0x58: {  	[spmem:s2] =	stream.indirect.scatter.add.bf16 [tilespmem:s16], [sflag:$0x2], $0x80, s20, s17, $0xb8;
	[tilespmem:$0x1A400] =	vst v63  }
0x59: {  	_ =	swait.ge [sflag:s15], $0x4000  }
0x5a: {  	s30 =	sshll.u32 s1, $0x6;
	s19 =	sadd.s32 $0x1, s19;
	[sflag:s15] =	ssyncset.done $0x0  }
0x5b: {  	s31 =	sshrl.u32 s7, $0x3;
	p0 =	sne.s32 s19, s13;
	[sflag:s15] =	ssyncadd.s32 $0xFFFFC000  }
.Ltmp3:
0x5c: {  	s20 =	sor.u32 $0x1C02, s30;
	[bflag:$0x0] =	sbarrier.arrive $0xFFFF;
	(pc) =	sbr.rel @p0 .LBB2_1-.Ltmp3, $4  }
0x5d: {  	[hbm:s12], [sflag:s20] =	dma.local [spmem:s31], $0x2780  }
0x5e: {  	_ =	swait.ge [sflag:s15], $0x2780  }
0x5f: {  	[sflag:s15] =	ssyncset.done $0x0  }
0x60: {  	[sflag:s15] =	ssyncadd.s32 $0xFFFFD880  }
0x61: {  	_ =	sfence.sel $0x180000  }
0x62: {  	[bflag:$0x0] =	sbarrier.arrive $0xFFFF  }
0x63: {  	p0 =	sne.s32 s1, $0x0;
	_ =	strace $0x9000004D  }
0x64: {  	s0 =	sadd.s32 @!p0 $0x100000, s0;
	[bflag:$0x2] =	sbarrier.arrive $0xFFFF  }
0x65: {  	[sflag:s0] =	ssyncadd.tile.s32 @!p0 $0x1;
	_ =	shalt  }
.Lfunc_end2:
_tile_overlayer_lowered:
.L_overlay_start_2:
0x66: {  	(tag) =	ssettag $0x2  }
0x67: {  	s0 =	rddreg [dreg:$0x0];
	s2 =	stileid.u32  }
0x68: {  	s1 =	rddreg [dreg:$0x1];
	p0 =	sne.s32 s2, $0x0  }
0x69: {  	s3 =	rddreg [dreg:$0x2];
	[bflag:$0x3] =	sbarrier.arrive $0xFFFF;
	s2 =	simm.s32 @!p0 $0x1C02  }
0x6a: {  	[timem:s3], [sflag:s2] =	dma.local @!p0 [hbm:s0], s1  }
0x6b: {  	s0 =	simm.s32 @!p0 $0x2  }
0x6c: {  	_ =	swait.ge @!p0 [sflag:s0], s1  }
0x6d: {  	s1 =	ssub.s32 @!p0 $0x0, s1;
	[sflag:s0] =	ssyncset.done @!p0 $0x0  }
0x6e: {  	[sflag:s0] =	ssyncadd.s32 @!p0 s1  }
0x6f: {  	[bflag:$0x3] =	sbarrier.arrive $0xFFFF  }
0x70: {  	_ =	shalt  }

</sc_bundles>
